<compile_context>
chip_gen: v7x
topology: tpu7x:2x2x1
jax: 0.10.2.dev20260603
libtpu: 0.0.44.dev20260713+nightly
codegen_flags: <defaults>
</compile_context>

<pallas_src>
import functools

import jax
import jax.numpy as jnp
from jax import lax
from jax.experimental import pallas as pl
from jax.experimental.pallas import tpu as pltpu
from jax.experimental.pallas import tpu_sc as plsc

_B = 16384
_D = 16
_NC = 2
_NS = 16
_NW = _NC * _NS
_BPW = _B // _NW
_C = 16
_NCH = _BPW // _C


def _gather_body(idx_hbm, tt_hbm, out_hbm, idx_v, blk_v, rows_v, sem):
    wid = lax.axis_index("s") * _NC + lax.axis_index("c")
    base = wid * _BPW
    pltpu.sync_copy(idx_hbm.at[pl.ds(base, _BPW)], idx_v)

    def chunk_fn(c):
        chunk = idx_v[pl.ds(c * _C, _C)]
        for k in range(_C):
            g128 = pl.multiple_of(
                lax.shift_left(lax.shift_right_logical(chunk[k], 7), 7), 128
            )
            pltpu.make_async_copy(
                tt_hbm.at[:, pl.ds(g128, 128)], blk_v.at[k], sem
            ).start()
        for k in range(_C):
            pltpu.make_async_copy(
                tt_hbm.at[pl.ds(0, _D), pl.ds(0, 128)], blk_v.at[k], sem
            ).wait()
        rr_v = lax.bitwise_and(chunk, 127)
        kk_v = lax.iota(jnp.int32, 16)
        rows16 = lax.iota(jnp.int32, 16) + (c * _C)
        for col in range(_D):
            col_v = jnp.full((16,), col, jnp.int32)
            vals = plsc.load_gather(blk_v, [kk_v, col_v, rr_v])
            plsc.store_scatter(rows_v, [rows16, col_v], vals)

    pl.loop(0, _NCH)(chunk_fn)
    pltpu.sync_copy(rows_v, out_hbm.at[pl.ds(base, _BPW)])


@jax.jit
def kernel(speaker_ids, table):
    mesh = plsc.VectorSubcoreMesh(core_axis_name="c", subcore_axis_name="s")
    fn = functools.partial(
        pl.kernel,
        mesh=mesh,
        out_type=jax.ShapeDtypeStruct((_B, _D), jnp.float32),
        scratch_types=[
            pltpu.VMEM((_BPW,), jnp.int32),
            pltpu.VMEM((_C, _D, 128), jnp.float32),
            pltpu.VMEM((_BPW, _D), jnp.float32),
            pltpu.SemaphoreType.DMA,
        ],
        compiler_params=pltpu.CompilerParams(needs_layout_passes=False),
    )(_gather_body)
    return fn(speaker_ids.astype(jnp.int32), table.T)

# --- scband reference (transcript-rebuilt; emitter-appended) ---
"""Pipeline reference for scband-speaker-embedding-37993280700950 (READ-ONLY COPY).

The authoritative reference and input builder live on the scoring server;
editing this copy changes nothing except your own understanding.
"""

import jax, jax.numpy as jnp
import numpy as np

NUM_SPEAKERS = 1000000
EMBED_DIM = 16
BATCH = 16384

def setup_inputs(seed: int = 0) -> dict:
    key = jax.random.key(seed)
    k_idx, k_tab = jax.random.split(key)
    speaker_ids = jax.random.randint(k_idx, (BATCH,), 0, NUM_SPEAKERS, dtype=jnp.int64 if jax.config.jax_enable_x64 else jnp.int32)
    table = jax.random.normal(k_tab, (NUM_SPEAKERS, EMBED_DIM), dtype=jnp.float32)
    return {"speaker_ids": speaker_ids, "table": table}

def reference(speaker_ids, table):
    # nn.Embedding forward: row gather from the embedding table
    return jnp.take(table, speaker_ids, axis=0)

if __name__ == "__main__":
    import jax
    _d = setup_inputs()
    print(jax.jit(kernel)(*tuple(_d.values())))

</pallas_src>

<mosaic_0001>
#map = affine_map<(d0, d1) -> (0)>
#map1 = affine_map<(d0, d1) -> (0, 0)>
module attributes {stable_mosaic.version = 14 : i64} {
  func.func @_gather_body(%arg0: i32, %arg1: i32, %arg2: memref<16384xi32, #tpu.memory_space<hbm>>, %arg3: memref<16x1000000xf32, #tpu.memory_space<hbm>>, %arg4: memref<16384x16xf32, #tpu.memory_space<hbm>>, %arg5: memref<512xi32, #tpu.memory_space<vmem>>, %arg6: memref<16x16x128xf32, #tpu.memory_space<vmem>>, %arg7: memref<512x16xf32, #tpu.memory_space<vmem>>, %arg8: memref<!tpu.dma_semaphore, #tpu.memory_space<semaphore_mem>>) attributes {dimension_semantics = [#tpu.dimension_semantics<core_parallel>, #tpu.dimension_semantics<subcore_parallel>], iteration_bounds = array<i64: 2, 16>, scalar_prefetch = 0 : i64, scratch_operands = 4 : i64, tpu.core_type = #tpu.core_type<sc_vector_subcore>, window_params = [{transform_indices = #map}, {transform_indices = #map1}, {transform_indices = #map1}]} {
    %mul3A = arith.constant 2 : i32
    %mul3A_0 = arith.muli %arg1, %mul3A : i32
    %add3A = arith.addi %mul3A_0, %arg0 : i32
    %mul3A_1 = arith.constant 512 : i32
    %mul3A_2 = arith.muli %add3A, %mul3A_1 : i32
    "tpu.region"() ({
      %run_scoped3A = tpu.sem_alloc : memref<!tpu.dma_semaphore, #tpu.memory_space<semaphore_mem>>
      %dma_start3A = tpu.memref_slice %arg2[%mul3A_2] : memref<16384xi32, #tpu.memory_space<hbm>> -> memref<512xi32, #tpu.memory_space<hbm>>
      %dma_start3A_7 = tpu.memref_slice %arg2[%mul3A_2] : memref<16384xi32, #tpu.memory_space<hbm>> -> memref<512xi32, #tpu.memory_space<hbm>>
      tpu.enqueue_dma source(%dma_start3A_7 : memref<512xi32, #tpu.memory_space<hbm>>) target(%arg5 : memref<512xi32, #tpu.memory_space<vmem>>) target_semaphore(%run_scoped3A : memref<!tpu.dma_semaphore, #tpu.memory_space<semaphore_mem>>)
      %dma_wait3A = tpu.memref_slice %arg2[%mul3A_2] : memref<16384xi32, #tpu.memory_space<hbm>> -> memref<512xi32, #tpu.memory_space<hbm>>
      %dma_wait3A_8 = tpu.memref_slice %arg2[%mul3A_2] : memref<16384xi32, #tpu.memory_space<hbm>> -> memref<512xi32, #tpu.memory_space<hbm>>
      tpu.wait_dma2 semaphore(%run_scoped3A : memref<!tpu.dma_semaphore, #tpu.memory_space<semaphore_mem>>) src(%dma_wait3A_8 : memref<512xi32, #tpu.memory_space<hbm>>) dst(%arg5 : memref<512xi32, #tpu.memory_space<vmem>>)
      tpu.yield
    }) : () -> ()
    %scan3A = arith.constant 0 : i32
    %scan3A_3 = arith.constant 32 : i32
    %scan3A_4 = arith.addi %scan3A, %scan3A_3 : i32
    %scan3A_5 = arith.constant 1 : i32
    scf.for %scan3A_7 = %scan3A to %scan3A_4 step %scan3A_5  : i32 {
      %mul3A_8 = arith.constant 1 : i32
      %mul3A_9 = arith.muli %scan3A_7, %mul3A_8 : i32
      %add3A_10 = arith.constant 0 : i32
      %add3A_11 = arith.addi %add3A_10, %mul3A_9 : i32
      %mul3A_12 = arith.constant 16 : i32
      %mul3A_13 = arith.muli %add3A_11, %mul3A_12 : i32
      %get3A = arith.index_cast %mul3A_13 : i32 to index
      %get3A_14 = tpu.vector_load %arg5[%get3A] {strides = array<i32>} : memref<512xi32, #tpu.memory_space<vmem>>, vector<16xi32>,
      %slice3A = vector.extract_strided_slice %get3A_14 {offsets = [0], sizes = [1], strides = [1]} : vector<16xi32> to vector<1xi32>
      %squeeze3A = vector.extract %slice3A[0] : i32 from vector<1xi32>
      %shift_right_logical3A = arith.constant 7 : i32
      %shift_right_logical3A_15 = arith.shrui %squeeze3A, %shift_right_logical3A : i32
      %shift_left3A = arith.constant 7 : i32
      %shift_left3A_16 = arith.shli %shift_right_logical3A_15, %shift_left3A : i32
      %multiple_of3A = tpu.assume_multiple %shift_left3A_16, 128 : i32
      %dma_start3A = arith.constant 0 : i32
      %dma_start3A_17 = arith.constant 0 : i32
      %dma_start3A_18 = arith.constant 0 : i32
      %dma_start3A_19 = tpu.memref_slice %arg6[%dma_start3A, %dma_start3A_17, %dma_start3A_18] : memref<16x16x128xf32, #tpu.memory_space<vmem>> -> memref<1x16x128xf32, #tpu.memory_space<vmem>>
      %dma_start3A_20 = tpu.memref_squeeze %dma_start3A_19 : memref<1x16x128xf32, #tpu.memory_space<vmem>> -> memref<16x128xf32, #tpu.memory_space<vmem>>
      %dma_start3A_21 = arith.constant 0 : i32
      %dma_start3A_22 = tpu.memref_slice %arg3[%dma_start3A_21, %multiple_of3A] : memref<16x1000000xf32, #tpu.memory_space<hbm>> -> memref<16x128xf32, #tpu.memory_space<hbm>>
      %dma_start3A_23 = arith.constant 0 : i32
      %dma_start3A_24 = arith.constant 0 : i32
      %dma_start3A_25 = tpu.memref_slice %arg6[%dma_start3A, %dma_start3A_23, %dma_start3A_24] : memref<16x16x128xf32, #tpu.memory_space<vmem>> -> memref<1x16x128xf32, #tpu.memory_space<vmem>>
      %dma_start3A_26 = tpu.memref_squeeze %dma_start3A_25 : memref<1x16x128xf32, #tpu.memory_space<vmem>> -> memref<16x128xf32, #tpu.memory_space<vmem>>
      %dma_start3A_27 = arith.constant 0 : i32
      %dma_start3A_28 = tpu.memref_slice %arg3[%dma_start3A_27, %multiple_of3A] : memref<16x1000000xf32, #tpu.memory_space<hbm>> -> memref<16x128xf32, #tpu.memory_space<hbm>>
      tpu.enqueue_dma source(%dma_start3A_28 : memref<16x128xf32, #tpu.memory_space<hbm>>) target(%dma_start3A_26 : memref<16x128xf32, #tpu.memory_space<vmem>>) target_semaphore(%arg8 : memref<!tpu.dma_semaphore, #tpu.memory_space<semaphore_mem>>)
      %slice3A_29 = vector.extract_strided_slice %get3A_14 {offsets = [1], sizes = [1], strides = [1]} : vector<16xi32> to vector<1xi32>
      %squeeze3A_30 = vector.extract %slice3A_29[0] : i32 from vector<1xi32>
      %shift_right_logical3A_31 = arith.constant 7 : i32
      %shift_right_logical3A_32 = arith.shrui %squeeze3A_30, %shift_right_logical3A_31 : i32
      %shift_left3A_33 = arith.constant 7 : i32
      %shift_left3A_34 = arith.shli %shift_right_logical3A_32, %shift_left3A_33 : i32
      %multiple_of3A_35 = tpu.assume_multiple %shift_left3A_34, 128 : i32
      %dma_start3A_36 = arith.constant 1 : i32
      %dma_start3A_37 = arith.constant 0 : i32
      %dma_start3A_38 = arith.constant 0 : i32
      %dma_start3A_39 = tpu.memref_slice %arg6[%dma_start3A_36, %dma_start3A_37, %dma_start3A_38] : memref<16x16x128xf32, #tpu.memory_space<vmem>> -> memref<1x16x128xf32, #tpu.memory_space<vmem>>
      %dma_start3A_40 = tpu.memref_squeeze %dma_start3A_39 : memref<1x16x128xf32, #tpu.memory_space<vmem>> -> memref<16x128xf32, #tpu.memory_space<vmem>>
      %dma_start3A_41 = arith.constant 0 : i32
      %dma_start3A_42 = tpu.memref_slice %arg3[%dma_start3A_41, %multiple_of3A_35] : memref<16x1000000xf32, #tpu.memory_space<hbm>> -> memref<16x128xf32, #tpu.memory_space<hbm>>
      %dma_start3A_43 = arith.constant 0 : i32
      %dma_start3A_44 = arith.constant 0 : i32
      %dma_start3A_45 = tpu.memref_slice %arg6[%dma_start3A_36, %dma_start3A_43, %dma_start3A_44] : memref<16x16x128xf32, #tpu.memory_space<vmem>> -> memref<1x16x128xf32, #tpu.memory_space<vmem>>
      %dma_start3A_46 = tpu.memref_squeeze %dma_start3A_45 : memref<1x16x128xf32, #tpu.memory_space<vmem>> -> memref<16x128xf32, #tpu.memory_space<vmem>>
      %dma_start3A_47 = arith.constant 0 : i32
      %dma_start3A_48 = tpu.memref_slice %arg3[%dma_start3A_47, %multiple_of3A_35] : memref<16x1000000xf32, #tpu.memory_space<hbm>> -> memref<16x128xf32, #tpu.memory_space<hbm>>
      tpu.enqueue_dma source(%dma_start3A_48 : memref<16x128xf32, #tpu.memory_space<hbm>>) target(%dma_start3A_46 : memref<16x128xf32, #tpu.memory_space<vmem>>) target_semaphore(%arg8 : memref<!tpu.dma_semaphore, #tpu.memory_space<semaphore_mem>>)
      %slice3A_49 = vector.extract_strided_slice %get3A_14 {offsets = [2], sizes = [1], strides = [1]} : vector<16xi32> to vector<1xi32>
      %squeeze3A_50 = vector.extract %slice3A_49[0] : i32 from vector<1xi32>
      %shift_right_logical3A_51 = arith.constant 7 : i32
      %shift_right_logical3A_52 = arith.shrui %squeeze3A_50, %shift_right_logical3A_51 : i32
      %shift_left3A_53 = arith.constant 7 : i32
      %shift_left3A_54 = arith.shli %shift_right_logical3A_52, %shift_left3A_53 : i32
      %multiple_of3A_55 = tpu.assume_multiple %shift_left3A_54, 128 : i32
      %dma_start3A_56 = arith.constant 2 : i32
      %dma_start3A_57 = arith.constant 0 : i32
      %dma_start3A_58 = arith.constant 0 : i32
      %dma_start3A_59 = tpu.memref_slice %arg6[%dma_start3A_56, %dma_start3A_57, %dma_start3A_58] : memref<16x16x128xf32, #tpu.memory_space<vmem>> -> memref<1x16x128xf32, #tpu.memory_space<vmem>>
      %dma_start3A_60 = tpu.memref_squeeze %dma_start3A_59 : memref<1x16x128xf32, #tpu.memory_space<vmem>> -> memref<16x128xf32, #tpu.memory_space<vmem>>
      %dma_start3A_61 = arith.constant 0 : i32
      %dma_start3A_62 = tpu.memref_slice %arg3[%dma_start3A_61, %multiple_of3A_55] : memref<16x1000000xf32, #tpu.memory_space<hbm>> -> memref<16x128xf32, #tpu.memory_space<hbm>>
      %dma_start3A_63 = arith.constant 0 : i32
      %dma_start3A_64 = arith.constant 0 : i32
      %dma_start3A_65 = tpu.memref_slice %arg6[%dma_start3A_56, %dma_start3A_63, %dma_start3A_64] : memref<16x16x128xf32, #tpu.memory_space<vmem>> -> memref<1x16x128xf32, #tpu.memory_space<vmem>>
      %dma_start3A_66 = tpu.memref_squeeze %dma_start3A_65 : memref<1x16x128xf32, #tpu.memory_space<vmem>> -> memref<16x128xf32, #tpu.memory_space<vmem>>
      %dma_start3A_67 = arith.constant 0 : i32
      %dma_start3A_68 = tpu.memref_slice %arg3[%dma_start3A_67, %multiple_of3A_55] : memref<16x1000000xf32, #tpu.memory_space<hbm>> -> memref<16x128xf32, #tpu.memory_space<hbm>>
      tpu.enqueue_dma source(%dma_start3A_68 : memref<16x128xf32, #tpu.memory_space<hbm>>) target(%dma_start3A_66 : memref<16x128xf32, #tpu.memory_space<vmem>>) target_semaphore(%arg8 : memref<!tpu.dma_semaphore, #tpu.memory_space<semaphore_mem>>)
      %slice3A_69 = vector.extract_strided_slice %get3A_14 {offsets = [3], sizes = [1], strides = [1]} : vector<16xi32> to vector<1xi32>
      %squeeze3A_70 = vector.extract %slice3A_69[0] : i32 from vector<1xi32>
      %shift_right_logical3A_71 = arith.constant 7 : i32
      %shift_right_logical3A_72 = arith.shrui %squeeze3A_70, %shift_right_logical3A_71 : i32
      %shift_left3A_73 = arith.constant 7 : i32
      %shift_left3A_74 = arith.shli %shift_right_logical3A_72, %shift_left3A_73 : i32
      %multiple_of3A_75 = tpu.assume_multiple %shift_left3A_74, 128 : i32
      %dma_start3A_76 = arith.constant 3 : i32
      %dma_start3A_77 = arith.constant 0 : i32
      %dma_start3A_78 = arith.constant 0 : i32
      %dma_start3A_79 = tpu.memref_slice %arg6[%dma_start3A_76, %dma_start3A_77, %dma_start3A_78] : memref<16x16x128xf32, #tpu.memory_space<vmem>> -> memref<1x16x128xf32, #tpu.memory_space<vmem>>
      %dma_start3A_80 = tpu.memref_squeeze %dma_start3A_79 : memref<1x16x128xf32, #tpu.memory_space<vmem>> -> memref<16x128xf32, #tpu.memory_space<vmem>>
      %dma_start3A_81 = arith.constant 0 : i32
      %dma_start3A_82 = tpu.memref_slice %arg3[%dma_start3A_81, %multiple_of3A_75] : memref<16x1000000xf32, #tpu.memory_space<hbm>> -> memref<16x128xf32, #tpu.memory_space<hbm>>
      %dma_start3A_83 = arith.constant 0 : i32
      %dma_start3A_84 = arith.constant 0 : i32
      %dma_start3A_85 = tpu.memref_slice %arg6[%dma_start3A_76, %dma_start3A_83, %dma_start3A_84] : memref<16x16x128xf32, #tpu.memory_space<vmem>> -> memref<1x16x128xf32, #tpu.memory_space<vmem>>
      %dma_start3A_86 = tpu.memref_squeeze %dma_start3A_85 : memref<1x16x128xf32, #tpu.memory_space<vmem>> -> memref<16x128xf32, #tpu.memory_space<vmem>>
      %dma_start3A_87 = arith.constant 0 : i32
      %dma_start3A_88 = tpu.memref_slice %arg3[%dma_start3A_87, %multiple_of3A_75] : memref<16x1000000xf32, #tpu.memory_space<hbm>> -> memref<16x128xf32, #tpu.memory_space<hbm>>
      tpu.enqueue_dma source(%dma_start3A_88 : memref<16x128xf32, #tpu.memory_space<hbm>>) target(%dma_start3A_86 : memref<16x128xf32, #tpu.memory_space<vmem>>) target_semaphore(%arg8 : memref<!tpu.dma_semaphore, #tpu.memory_space<semaphore_mem>>)
      %slice3A_89 = vector.extract_strided_slice %get3A_14 {offsets = [4], sizes = [1], strides = [1]} : vector<16xi32> to vector<1xi32>
      %squeeze3A_90 = vector.extract %slice3A_89[0] : i32 from vector<1xi32>
      %shift_right_logical3A_91 = arith.constant 7 : i32
      %shift_right_logical3A_92 = arith.shrui %squeeze3A_90, %shift_right_logical3A_91 : i32
      %shift_left3A_93 = arith.constant 7 : i32
      %shift_left3A_94 = arith.shli %shift_right_logical3A_92, %shift_left3A_93 : i32
      %multiple_of3A_95 = tpu.assume_multiple %shift_left3A_94, 128 : i32
      %dma_start3A_96 = arith.constant 4 : i32
      %dma_start3A_97 = arith.constant 0 : i32
      %dma_start3A_98 = arith.constant 0 : i32
      %dma_start3A_99 = tpu.memref_slice %arg6[%dma_start3A_96, %dma_start3A_97, %dma_start3A_98] : memref<16x16x128xf32, #tpu.memory_space<vmem>> -> memref<1x16x128xf32, #tpu.memory_space<vmem>>
      %dma_start3A_100 = tpu.memref_squeeze %dma_start3A_99 : memref<1x16x128xf32, #tpu.memory_space<vmem>> -> memref<16x128xf32, #tpu.memory_space<vmem>>
      %dma_start3A_101 = arith.constant 0 : i32
      %dma_start3A_102 = tpu.memref_slice %arg3[%dma_start3A_101, %multiple_of3A_95] : memref<16x1000000xf32, #tpu.memory_space<hbm>> -> memref<16x128xf32, #tpu.memory_space<hbm>>
      %dma_start3A_103 = arith.constant 0 : i32
      %dma_start3A_104 = arith.constant 0 : i32
      %dma_start3A_105 = tpu.memref_slice %arg6[%dma_start3A_96, %dma_start3A_103, %dma_start3A_104] : memref<16x16x128xf32, #tpu.memory_space<vmem>> -> memref<1x16x128xf32, #tpu.memory_space<vmem>>
      %dma_start3A_106 = tpu.memref_squeeze %dma_start3A_105 : memref<1x16x128xf32, #tpu.memory_space<vmem>> -> memref<16x128xf32, #tpu.memory_space<vmem>>
      %dma_start3A_107 = arith.constant 0 : i32
      %dma_start3A_108 = tpu.memref_slice %arg3[%dma_start3A_107, %multiple_of3A_95] : memref<16x1000000xf32, #tpu.memory_space<hbm>> -> memref<16x128xf32, #tpu.memory_space<hbm>>
      tpu.enqueue_dma source(%dma_start3A_108 : memref<16x128xf32, #tpu.memory_space<hbm>>) target(%dma_start3A_106 : memref<16x128xf32, #tpu.memory_space<vmem>>) target_semaphore(%arg8 : memref<!tpu.dma_semaphore, #tpu.memory_space<semaphore_mem>>)
      %slice3A_109 = vector.extract_strided_slice %get3A_14 {offsets = [5], sizes = [1], strides = [1]} : vector<16xi32> to vector<1xi32>
      %squeeze3A_110 = vector.extract %slice3A_109[0] : i32 from vector<1xi32>
      %shift_right_logical3A_111 = arith.constant 7 : i32
      %shift_right_logical3A_112 = arith.shrui %squeeze3A_110, %shift_right_logical3A_111 : i32
      %shift_left3A_113 = arith.constant 7 : i32
      %shift_left3A_114 = arith.shli %shift_right_logical3A_112, %shift_left3A_113 : i32
      %multiple_of3A_115 = tpu.assume_multiple %shift_left3A_114, 128 : i32
      %dma_start3A_116 = arith.constant 5 : i32
      %dma_start3A_117 = arith.constant 0 : i32
      %dma_start3A_118 = arith.constant 0 : i32
      %dma_start3A_119 = tpu.memref_slice %arg6[%dma_start3A_116, %dma_start3A_117, %dma_start3A_118] : memref<16x16x128xf32, #tpu.memory_space<vmem>> -> memref<1x16x128xf32, #tpu.memory_space<vmem>>
      %dma_start3A_120 = tpu.memref_squeeze %dma_start3A_119 : memref<1x16x128xf32, #tpu.memory_space<vmem>> -> memref<16x128xf32, #tpu.memory_space<vmem>>
      %dma_start3A_121 = arith.constant 0 : i32
      %dma_start3A_122 = tpu.memref_slice %arg3[%dma_start3A_121, %multiple_of3A_115] : memref<16x1000000xf32, #tpu.memory_space<hbm>> -> memref<16x128xf32, #tpu.memory_space<hbm>>
      %dma_start3A_123 = arith.constant 0 : i32
      %dma_start3A_124 = arith.constant 0 : i32
      %dma_start3A_125 = tpu.memref_slice %arg6[%dma_start3A_116, %dma_start3A_123, %dma_start3A_124] : memref<16x16x128xf32, #tpu.memory_space<vmem>> -> memref<1x16x128xf32, #tpu.memory_space<vmem>>
      %dma_start3A_126 = tpu.memref_squeeze %dma_start3A_125 : memref<1x16x128xf32, #tpu.memory_space<vmem>> -> memref<16x128xf32, #tpu.memory_space<vmem>>
      %dma_start3A_127 = arith.constant 0 : i32
      %dma_start3A_128 = tpu.memref_slice %arg3[%dma_start3A_127, %multiple_of3A_115] : memref<16x1000000xf32, #tpu.memory_space<hbm>> -> memref<16x128xf32, #tpu.memory_space<hbm>>
      tpu.enqueue_dma source(%dma_start3A_128 : memref<16x128xf32, #tpu.memory_space<hbm>>) target(%dma_start3A_126 : memref<16x128xf32, #tpu.memory_space<vmem>>) target_semaphore(%arg8 : memref<!tpu.dma_semaphore, #tpu.memory_space<semaphore_mem>>)
      %slice3A_129 = vector.extract_strided_slice %get3A_14 {offsets = [6], sizes = [1], strides = [1]} : vector<16xi32> to vector<1xi32>
      %squeeze3A_130 = vector.extract %slice3A_129[0] : i32 from vector<1xi32>
      %shift_right_logical3A_131 = arith.constant 7 : i32
      %shift_right_logical3A_132 = arith.shrui %squeeze3A_130, %shift_right_logical3A_131 : i32
      %shift_left3A_133 = arith.constant 7 : i32
      %shift_left3A_134 = arith.shli %shift_right_logical3A_132, %shift_left3A_133 : i32
      %multiple_of3A_135 = tpu.assume_multiple %shift_left3A_134, 128 : i32
      %dma_start3A_136 = arith.constant 6 : i32
      %dma_start3A_137 = arith.constant 0 : i32
      %dma_start3A_138 = arith.constant 0 : i32
      %dma_start3A_139 = tpu.memref_slice %arg6[%dma_start3A_136, %dma_start3A_137, %dma_start3A_138] : memref<16x16x128xf32, #tpu.memory_space<vmem>> -> memref<1x16x128xf32, #tpu.memory_space<vmem>>
      %dma_start3A_140 = tpu.memref_squeeze %dma_start3A_139 : memref<1x16x128xf32, #tpu.memory_space<vmem>> -> memref<16x128xf32, #tpu.memory_space<vmem>>
      %dma_start3A_141 = arith.constant 0 : i32
      %dma_start3A_142 = tpu.memref_slice %arg3[%dma_start3A_141, %multiple_of3A_135] : memref<16x1000000xf32, #tpu.memory_space<hbm>> -> memref<16x128xf32, #tpu.memory_space<hbm>>
      %dma_start3A_143 = arith.constant 0 : i32
      %dma_start3A_144 = arith.constant 0 : i32
      %dma_start3A_145 = tpu.memref_slice %arg6[%dma_start3A_136, %dma_start3A_143, %dma_start3A_144] : memref<16x16x128xf32, #tpu.memory_space<vmem>> -> memref<1x16x128xf32, #tpu.memory_space<vmem>>
      %dma_start3A_146 = tpu.memref_squeeze %dma_start3A_145 : memref<1x16x128xf32, #tpu.memory_space<vmem>> -> memref<16x128xf32, #tpu.memory_space<vmem>>
      %dma_start3A_147 = arith.constant 0 : i32
      %dma_start3A_148 = tpu.memref_slice %arg3[%dma_start3A_147, %multiple_of3A_135] : memref<16x1000000xf32, #tpu.memory_space<hbm>> -> memref<16x128xf32, #tpu.memory_space<hbm>>
      tpu.enqueue_dma source(%dma_start3A_148 : memref<16x128xf32, #tpu.memory_space<hbm>>) target(%dma_start3A_146 : memref<16x128xf32, #tpu.memory_space<vmem>>) target_semaphore(%arg8 : memref<!tpu.dma_semaphore, #tpu.memory_space<semaphore_mem>>)
      %slice3A_149 = vector.extract_strided_slice %get3A_14 {offsets = [7], sizes = [1], strides = [1]} : vector<16xi32> to vector<1xi32>
      %squeeze3A_150 = vector.extract %slice3A_149[0] : i32 from vector<1xi32>
      %shift_right_logical3A_151 = arith.constant 7 : i32
      %shift_right_logical3A_152 = arith.shrui %squeeze3A_150, %shift_right_logical3A_151 : i32
      %shift_left3A_153 = arith.constant 7 : i32
      %shift_left3A_154 = arith.shli %shift_right_logical3A_152, %shift_left3A_153 : i32
      %multiple_of3A_155 = tpu.assume_multiple %shift_left3A_154, 128 : i32
      %dma_start3A_156 = arith.constant 7 : i32
      %dma_start3A_157 = arith.constant 0 : i32
      %dma_start3A_158 = arith.constant 0 : i32
      %dma_start3A_159 = tpu.memref_slice %arg6[%dma_start3A_156, %dma_start3A_157, %dma_start3A_158] : memref<16x16x128xf32, #tpu.memory_space<vmem>> -> memref<1x16x128xf32, #tpu.memory_space<vmem>>
      %dma_start3A_160 = tpu.memref_squeeze %dma_start3A_159 : memref<1x16x128xf32, #tpu.memory_space<vmem>> -> memref<16x128xf32, #tpu.memory_space<vmem>>
      %dma_start3A_161 = arith.constant 0 : i32
      %dma_start3A_162 = tpu.memref_slice %arg3[%dma_start3A_161, %multiple_of3A_155] : memref<16x1000000xf32, #tpu.memory_space<hbm>> -> memref<16x128xf32, #tpu.memory_space<hbm>>
      %dma_start3A_163 = arith.constant 0 : i32
      %dma_start3A_164 = arith.constant 0 : i32
      %dma_start3A_165 = tpu.memref_slice %arg6[%dma_start3A_156, %dma_start3A_163, %dma_start3A_164] : memref<16x16x128xf32, #tpu.memory_space<vmem>> -> memref<1x16x128xf32, #tpu.memory_space<vmem>>
      %dma_start3A_166 = tpu.memref_squeeze %dma_start3A_165 : memref<1x16x128xf32, #tpu.memory_space<vmem>> -> memref<16x128xf32, #tpu.memory_space<vmem>>
      %dma_start3A_167 = arith.constant 0 : i32
      %dma_start3A_168 = tpu.memref_slice %arg3[%dma_start3A_167, %multiple_of3A_155] : memref<16x1000000xf32, #tpu.memory_space<hbm>> -> memref<16x128xf32, #tpu.memory_space<hbm>>
      tpu.enqueue_dma source(%dma_start3A_168 : memref<16x128xf32, #tpu.memory_space<hbm>>) target(%dma_start3A_166 : memref<16x128xf32, #tpu.memory_space<vmem>>) target_semaphore(%arg8 : memref<!tpu.dma_semaphore, #tpu.memory_space<semaphore_mem>>)
      %slice3A_169 = vector.extract_strided_slice %get3A_14 {offsets = [8], sizes = [1], strides = [1]} : vector<16xi32> to vector<1xi32>
      %squeeze3A_170 = vector.extract %slice3A_169[0] : i32 from vector<1xi32>
      %shift_right_logical3A_171 = arith.constant 7 : i32
      %shift_right_logical3A_172 = arith.shrui %squeeze3A_170, %shift_right_logical3A_171 : i32
      %shift_left3A_173 = arith.constant 7 : i32
      %shift_left3A_174 = arith.shli %shift_right_logical3A_172, %shift_left3A_173 : i32
      %multiple_of3A_175 = tpu.assume_multiple %shift_left3A_174, 128 : i32
      %dma_start3A_176 = arith.constant 8 : i32
      %dma_start3A_177 = arith.constant 0 : i32
      %dma_start3A_178 = arith.constant 0 : i32
      %dma_start3A_179 = tpu.memref_slice %arg6[%dma_start3A_176, %dma_start3A_177, %dma_start3A_178] : memref<16x16x128xf32, #tpu.memory_space<vmem>> -> memref<1x16x128xf32, #tpu.memory_space<vmem>>
      %dma_start3A_180 = tpu.memref_squeeze %dma_start3A_179 : memref<1x16x128xf32, #tpu.memory_space<vmem>> -> memref<16x128xf32, #tpu.memory_space<vmem>>
      %dma_start3A_181 = arith.constant 0 : i32
      %dma_start3A_182 = tpu.memref_slice %arg3[%dma_start3A_181, %multiple_of3A_175] : memref<16x1000000xf32, #tpu.memory_space<hbm>> -> memref<16x128xf32, #tpu.memory_space<hbm>>
      %dma_start3A_183 = arith.constant 0 : i32
      %dma_start3A_184 = arith.constant 0 : i32
      %dma_start3A_185 = tpu.memref_slice %arg6[%dma_start3A_176, %dma_start3A_183, %dma_start3A_184] : memref<16x16x128xf32, #tpu.memory_space<vmem>> -> memref<1x16x128xf32, #tpu.memory_space<vmem>>
      %dma_start3A_186 = tpu.memref_squeeze %dma_start3A_185 : memref<1x16x128xf32, #tpu.memory_space<vmem>> -> memref<16x128xf32, #tpu.memory_space<vmem>>
      %dma_start3A_187 = arith.constant 0 : i32
      %dma_start3A_188 = tpu.memref_slice %arg3[%dma_start3A_187, %multiple_of3A_175] : memref<16x1000000xf32, #tpu.memory_space<hbm>> -> memref<16x128xf32, #tpu.memory_space<hbm>>
      tpu.enqueue_dma source(%dma_start3A_188 : memref<16x128xf32, #tpu.memory_space<hbm>>) target(%dma_start3A_186 : memref<16x128xf32, #tpu.memory_space<vmem>>) target_semaphore(%arg8 : memref<!tpu.dma_semaphore, #tpu.memory_space<semaphore_mem>>)
      %slice3A_189 = vector.extract_strided_slice %get3A_14 {offsets = [9], sizes = [1], strides = [1]} : vector<16xi32> to vector<1xi32>
      %squeeze3A_190 = vector.extract %slice3A_189[0] : i32 from vector<1xi32>
      %shift_right_logical3A_191 = arith.constant 7 : i32
      %shift_right_logical3A_192 = arith.shrui %squeeze3A_190, %shift_right_logical3A_191 : i32
      %shift_left3A_193 = arith.constant 7 : i32
      %shift_left3A_194 = arith.shli %shift_right_logical3A_192, %shift_left3A_193 : i32
      %multiple_of3A_195 = tpu.assume_multiple %shift_left3A_194, 128 : i32
      %dma_start3A_196 = arith.constant 9 : i32
      %dma_start3A_197 = arith.constant 0 : i32
      %dma_start3A_198 = arith.constant 0 : i32
      %dma_start3A_199 = tpu.memref_slice %arg6[%dma_start3A_196, %dma_start3A_197, %dma_start3A_198] : memref<16x16x128xf32, #tpu.memory_space<vmem>> -> memref<1x16x128xf32, #tpu.memory_space<vmem>>
      %dma_start3A_200 = tpu.memref_squeeze %dma_start3A_199 : memref<1x16x128xf32, #tpu.memory_space<vmem>> -> memref<16x128xf32, #tpu.memory_space<vmem>>
      %dma_start3A_201 = arith.constant 0 : i32
      %dma_start3A_202 = tpu.memref_slice %arg3[%dma_start3A_201, %multiple_of3A_195] : memref<16x1000000xf32, #tpu.memory_space<hbm>> -> memref<16x128xf32, #tpu.memory_space<hbm>>
      %dma_start3A_203 = arith.constant 0 : i32
      %dma_start3A_204 = arith.constant 0 : i32
      %dma_start3A_205 = tpu.memref_slice %arg6[%dma_start3A_196, %dma_start3A_203, %dma_start3A_204] : memref<16x16x128xf32, #tpu.memory_space<vmem>> -> memref<1x16x128xf32, #tpu.memory_space<vmem>>
      %dma_start3A_206 = tpu.memref_squeeze %dma_start3A_205 : memref<1x16x128xf32, #tpu.memory_space<vmem>> -> memref<16x128xf32, #tpu.memory_space<vmem>>
      %dma_start3A_207 = arith.constant 0 : i32
      %dma_start3A_208 = tpu.memref_slice %arg3[%dma_start3A_207, %multiple_of3A_195] : memref<16x1000000xf32, #tpu.memory_space<hbm>> -> memref<16x128xf32, #tpu.memory_space<hbm>>
      tpu.enqueue_dma source(%dma_start3A_208 : memref<16x128xf32, #tpu.memory_space<hbm>>) target(%dma_start3A_206 : memref<16x128xf32, #tpu.memory_space<vmem>>) target_semaphore(%arg8 : memref<!tpu.dma_semaphore, #tpu.memory_space<semaphore_mem>>)
      %slice3A_209 = vector.extract_strided_slice %get3A_14 {offsets = [10], sizes = [1], strides = [1]} : vector<16xi32> to vector<1xi32>
      %squeeze3A_210 = vector.extract %slice3A_209[0] : i32 from vector<1xi32>
      %shift_right_logical3A_211 = arith.constant 7 : i32
      %shift_right_logical3A_212 = arith.shrui %squeeze3A_210, %shift_right_logical3A_211 : i32
      %shift_left3A_213 = arith.constant 7 : i32
      %shift_left3A_214 = arith.shli %shift_right_logical3A_212, %shift_left3A_213 : i32
      %multiple_of3A_215 = tpu.assume_multiple %shift_left3A_214, 128 : i32
      %dma_start3A_216 = arith.constant 10 : i32
      %dma_start3A_217 = arith.constant 0 : i32
      %dma_start3A_218 = arith.constant 0 : i32
      %dma_start3A_219 = tpu.memref_slice %arg6[%dma_start3A_216, %dma_start3A_217, %dma_start3A_218] : memref<16x16x128xf32, #tpu.memory_space<vmem>> -> memref<1x16x128xf32, #tpu.memory_space<vmem>>
      %dma_start3A_220 = tpu.memref_squeeze %dma_start3A_219 : memref<1x16x128xf32, #tpu.memory_space<vmem>> -> memref<16x128xf32, #tpu.memory_space<vmem>>
      %dma_start3A_221 = arith.constant 0 : i32
      %dma_start3A_222 = tpu.memref_slice %arg3[%dma_start3A_221, %multiple_of3A_215] : memref<16x1000000xf32, #tpu.memory_space<hbm>> -> memref<16x128xf32, #tpu.memory_space<hbm>>
      %dma_start3A_223 = arith.constant 0 : i32
      %dma_start3A_224 = arith.constant 0 : i32
      %dma_start3A_225 = tpu.memref_slice %arg6[%dma_start3A_216, %dma_start3A_223, %dma_start3A_224] : memref<16x16x128xf32, #tpu.memory_space<vmem>> -> memref<1x16x128xf32, #tpu.memory_space<vmem>>
      %dma_start3A_226 = tpu.memref_squeeze %dma_start3A_225 : memref<1x16x128xf32, #tpu.memory_space<vmem>> -> memref<16x128xf32, #tpu.memory_space<vmem>>
      %dma_start3A_227 = arith.constant 0 : i32
      %dma_start3A_228 = tpu.memref_slice %arg3[%dma_start3A_227, %multiple_of3A_215] : memref<16x1000000xf32, #tpu.memory_space<hbm>> -> memref<16x128xf32, #tpu.memory_space<hbm>>
      tpu.enqueue_dma source(%dma_start3A_228 : memref<16x128xf32, #tpu.memory_space<hbm>>) target(%dma_start3A_226 : memref<16x128xf32, #tpu.memory_space<vmem>>) target_semaphore(%arg8 : memref<!tpu.dma_semaphore, #tpu.memory_space<semaphore_mem>>)
      %slice3A_229 = vector.extract_strided_slice %get3A_14 {offsets = [11], sizes = [1], strides = [1]} : vector<16xi32> to vector<1xi32>
      %squeeze3A_230 = vector.extract %slice3A_229[0] : i32 from vector<1xi32>
      %shift_right_logical3A_231 = arith.constant 7 : i32
      %shift_right_logical3A_232 = arith.shrui %squeeze3A_230, %shift_right_logical3A_231 : i32
      %shift_left3A_233 = arith.constant 7 : i32
      %shift_left3A_234 = arith.shli %shift_right_logical3A_232, %shift_left3A_233 : i32
      %multiple_of3A_235 = tpu.assume_multiple %shift_left3A_234, 128 : i32
      %dma_start3A_236 = arith.constant 11 : i32
      %dma_start3A_237 = arith.constant 0 : i32
      %dma_start3A_238 = arith.constant 0 : i32
      %dma_start3A_239 = tpu.memref_slice %arg6[%dma_start3A_236, %dma_start3A_237, %dma_start3A_238] : memref<16x16x128xf32, #tpu.memory_space<vmem>> -> memref<1x16x128xf32, #tpu.memory_space<vmem>>
      %dma_start3A_240 = tpu.memref_squeeze %dma_start3A_239 : memref<1x16x128xf32, #tpu.memory_space<vmem>> -> memref<16x128xf32, #tpu.memory_space<vmem>>
      %dma_start3A_241 = arith.constant 0 : i32
      %dma_start3A_242 = tpu.memref_slice %arg3[%dma_start3A_241, %multiple_of3A_235] : memref<16x1000000xf32, #tpu.memory_space<hbm>> -> memref<16x128xf32, #tpu.memory_space<hbm>>
      %dma_start3A_243 = arith.constant 0 : i32
      %dma_start3A_244 = arith.constant 0 : i32
      %dma_start3A_245 = tpu.memref_slice %arg6[%dma_start3A_236, %dma_start3A_243, %dma_start3A_244] : memref<16x16x128xf32, #tpu.memory_space<vmem>> -> memref<1x16x128xf32, #tpu.memory_space<vmem>>
      %dma_start3A_246 = tpu.memref_squeeze %dma_start3A_245 : memref<1x16x128xf32, #tpu.memory_space<vmem>> -> memref<16x128xf32, #tpu.memory_space<vmem>>
      %dma_start3A_247 = arith.constant 0 : i32
      %dma_start3A_248 = tpu.memref_slice %arg3[%dma_start3A_247, %multiple_of3A_235] : memref<16x1000000xf32, #tpu.memory_space<hbm>> -> memref<16x128xf32, #tpu.memory_space<hbm>>
      tpu.enqueue_dma source(%dma_start3A_248 : memref<16x128xf32, #tpu.memory_space<hbm>>) target(%dma_start3A_246 : memref<16x128xf32, #tpu.memory_space<vmem>>) target_semaphore(%arg8 : memref<!tpu.dma_semaphore, #tpu.memory_space<semaphore_mem>>)
      %slice3A_249 = vector.extract_strided_slice %get3A_14 {offsets = [12], sizes = [1], strides = [1]} : vector<16xi32> to vector<1xi32>
      %squeeze3A_250 = vector.extract %slice3A_249[0] : i32 from vector<1xi32>
      %shift_right_logical3A_251 = arith.constant 7 : i32
      %shift_right_logical3A_252 = arith.shrui %squeeze3A_250, %shift_right_logical3A_251 : i32
      %shift_left3A_253 = arith.constant 7 : i32
      %shift_left3A_254 = arith.shli %shift_right_logical3A_252, %shift_left3A_253 : i32
      %multiple_of3A_255 = tpu.assume_multiple %shift_left3A_254, 128 : i32
      %dma_start3A_256 = arith.constant 12 : i32
      %dma_start3A_257 = arith.constant 0 : i32
      %dma_start3A_258 = arith.constant 0 : i32
      %dma_start3A_259 = tpu.memref_slice %arg6[%dma_start3A_256, %dma_start3A_257, %dma_start3A_258] : memref<16x16x128xf32, #tpu.memory_space<vmem>> -> memref<1x16x128xf32, #tpu.memory_space<vmem>>
      %dma_start3A_260 = tpu.memref_squeeze %dma_start3A_259 : memref<1x16x128xf32, #tpu.memory_space<vmem>> -> memref<16x128xf32, #tpu.memory_space<vmem>>
      %dma_start3A_261 = arith.constant 0 : i32
      %dma_start3A_262 = tpu.memref_slice %arg3[%dma_start3A_261, %multiple_of3A_255] : memref<16x1000000xf32, #tpu.memory_space<hbm>> -> memref<16x128xf32, #tpu.memory_space<hbm>>
      %dma_start3A_263 = arith.constant 0 : i32
      %dma_start3A_264 = arith.constant 0 : i32
      %dma_start3A_265 = tpu.memref_slice %arg6[%dma_start3A_256, %dma_start3A_263, %dma_start3A_264] : memref<16x16x128xf32, #tpu.memory_space<vmem>> -> memref<1x16x128xf32, #tpu.memory_space<vmem>>
      %dma_start3A_266 = tpu.memref_squeeze %dma_start3A_265 : memref<1x16x128xf32, #tpu.memory_space<vmem>> -> memref<16x128xf32, #tpu.memory_space<vmem>>
      %dma_start3A_267 = arith.constant 0 : i32
      %dma_start3A_268 = tpu.memref_slice %arg3[%dma_start3A_267, %multiple_of3A_255] : memref<16x1000000xf32, #tpu.memory_space<hbm>> -> memref<16x128xf32, #tpu.memory_space<hbm>>
      tpu.enqueue_dma source(%dma_start3A_268 : memref<16x128xf32, #tpu.memory_space<hbm>>) target(%dma_start3A_266 : memref<16x128xf32, #tpu.memory_space<vmem>>) target_semaphore(%arg8 : memref<!tpu.dma_semaphore, #tpu.memory_space<semaphore_mem>>)
      %slice3A_269 = vector.extract_strided_slice %get3A_14 {offsets = [13], sizes = [1], strides = [1]} : vector<16xi32> to vector<1xi32>
      %squeeze3A_270 = vector.extract %slice3A_269[0] : i32 from vector<1xi32>
      %shift_right_logical3A_271 = arith.constant 7 : i32
      %shift_right_logical3A_272 = arith.shrui %squeeze3A_270, %shift_right_logical3A_271 : i32
      %shift_left3A_273 = arith.constant 7 : i32
      %shift_left3A_274 = arith.shli %shift_right_logical3A_272, %shift_left3A_273 : i32
      %multiple_of3A_275 = tpu.assume_multiple %shift_left3A_274, 128 : i32
      %dma_start3A_276 = arith.constant 13 : i32
      %dma_start3A_277 = arith.constant 0 : i32
      %dma_start3A_278 = arith.constant 0 : i32
      %dma_start3A_279 = tpu.memref_slice %arg6[%dma_start3A_276, %dma_start3A_277, %dma_start3A_278] : memref<16x16x128xf32, #tpu.memory_space<vmem>> -> memref<1x16x128xf32, #tpu.memory_space<vmem>>
      %dma_start3A_280 = tpu.memref_squeeze %dma_start3A_279 : memref<1x16x128xf32, #tpu.memory_space<vmem>> -> memref<16x128xf32, #tpu.memory_space<vmem>>
      %dma_start3A_281 = arith.constant 0 : i32
      %dma_start3A_282 = tpu.memref_slice %arg3[%dma_start3A_281, %multiple_of3A_275] : memref<16x1000000xf32, #tpu.memory_space<hbm>> -> memref<16x128xf32, #tpu.memory_space<hbm>>
      %dma_start3A_283 = arith.constant 0 : i32
      %dma_start3A_284 = arith.constant 0 : i32
      %dma_start3A_285 = tpu.memref_slice %arg6[%dma_start3A_276, %dma_start3A_283, %dma_start3A_284] : memref<16x16x128xf32, #tpu.memory_space<vmem>> -> memref<1x16x128xf32, #tpu.memory_space<vmem>>
      %dma_start3A_286 = tpu.memref_squeeze %dma_start3A_285 : memref<1x16x128xf32, #tpu.memory_space<vmem>> -> memref<16x128xf32, #tpu.memory_space<vmem>>
      %dma_start3A_287 = arith.constant 0 : i32
      %dma_start3A_288 = tpu.memref_slice %arg3[%dma_start3A_287, %multiple_of3A_275] : memref<16x1000000xf32, #tpu.memory_space<hbm>> -> memref<16x128xf32, #tpu.memory_space<hbm>>
      tpu.enqueue_dma source(%dma_start3A_288 : memref<16x128xf32, #tpu.memory_space<hbm>>) target(%dma_start3A_286 : memref<16x128xf32, #tpu.memory_space<vmem>>) target_semaphore(%arg8 : memref<!tpu.dma_semaphore, #tpu.memory_space<semaphore_mem>>)
      %slice3A_289 = vector.extract_strided_slice %get3A_14 {offsets = [14], sizes = [1], strides = [1]} : vector<16xi32> to vector<1xi32>
      %squeeze3A_290 = vector.extract %slice3A_289[0] : i32 from vector<1xi32>
      %shift_right_logical3A_291 = arith.constant 7 : i32
      %shift_right_logical3A_292 = arith.shrui %squeeze3A_290, %shift_right_logical3A_291 : i32
      %shift_left3A_293 = arith.constant 7 : i32
      %shift_left3A_294 = arith.shli %shift_right_logical3A_292, %shift_left3A_293 : i32
      %multiple_of3A_295 = tpu.assume_multiple %shift_left3A_294, 128 : i32
      %dma_start3A_296 = arith.constant 14 : i32
      %dma_start3A_297 = arith.constant 0 : i32
      %dma_start3A_298 = arith.constant 0 : i32
      %dma_start3A_299 = tpu.memref_slice %arg6[%dma_start3A_296, %dma_start3A_297, %dma_start3A_298] : memref<16x16x128xf32, #tpu.memory_space<vmem>> -> memref<1x16x128xf32, #tpu.memory_space<vmem>>
      %dma_start3A_300 = tpu.memref_squeeze %dma_start3A_299 : memref<1x16x128xf32, #tpu.memory_space<vmem>> -> memref<16x128xf32, #tpu.memory_space<vmem>>
      %dma_start3A_301 = arith.constant 0 : i32
      %dma_start3A_302 = tpu.memref_slice %arg3[%dma_start3A_301, %multiple_of3A_295] : memref<16x1000000xf32, #tpu.memory_space<hbm>> -> memref<16x128xf32, #tpu.memory_space<hbm>>
      %dma_start3A_303 = arith.constant 0 : i32
      %dma_start3A_304 = arith.constant 0 : i32
      %dma_start3A_305 = tpu.memref_slice %arg6[%dma_start3A_296, %dma_start3A_303, %dma_start3A_304] : memref<16x16x128xf32, #tpu.memory_space<vmem>> -> memref<1x16x128xf32, #tpu.memory_space<vmem>>
      %dma_start3A_306 = tpu.memref_squeeze %dma_start3A_305 : memref<1x16x128xf32, #tpu.memory_space<vmem>> -> memref<16x128xf32, #tpu.memory_space<vmem>>
      %dma_start3A_307 = arith.constant 0 : i32
      %dma_start3A_308 = tpu.memref_slice %arg3[%dma_start3A_307, %multiple_of3A_295] : memref<16x1000000xf32, #tpu.memory_space<hbm>> -> memref<16x128xf32, #tpu.memory_space<hbm>>
      tpu.enqueue_dma source(%dma_start3A_308 : memref<16x128xf32, #tpu.memory_space<hbm>>) target(%dma_start3A_306 : memref<16x128xf32, #tpu.memory_space<vmem>>) target_semaphore(%arg8 : memref<!tpu.dma_semaphore, #tpu.memory_space<semaphore_mem>>)
      %slice3A_309 = vector.extract_strided_slice %get3A_14 {offsets = [15], sizes = [1], strides = [1]} : vector<16xi32> to vector<1xi32>
      %squeeze3A_310 = vector.extract %slice3A_309[0] : i32 from vector<1xi32>
      %shift_right_logical3A_311 = arith.constant 7 : i32
      %shift_right_logical3A_312 = arith.shrui %squeeze3A_310, %shift_right_logical3A_311 : i32
      %shift_left3A_313 = arith.constant 7 : i32
      %shift_left3A_314 = arith.shli %shift_right_logical3A_312, %shift_left3A_313 : i32
      %multiple_of3A_315 = tpu.assume_multiple %shift_left3A_314, 128 : i32
      %dma_start3A_316 = arith.constant 15 : i32
      %dma_start3A_317 = arith.constant 0 : i32
      %dma_start3A_318 = arith.constant 0 : i32
      %dma_start3A_319 = tpu.memref_slice %arg6[%dma_start3A_316, %dma_start3A_317, %dma_start3A_318] : memref<16x16x128xf32, #tpu.memory_space<vmem>> -> memref<1x16x128xf32, #tpu.memory_space<vmem>>
      %dma_start3A_320 = tpu.memref_squeeze %dma_start3A_319 : memref<1x16x128xf32, #tpu.memory_space<vmem>> -> memref<16x128xf32, #tpu.memory_space<vmem>>
      %dma_start3A_321 = arith.constant 0 : i32
      %dma_start3A_322 = tpu.memref_slice %arg3[%dma_start3A_321, %multiple_of3A_315] : memref<16x1000000xf32, #tpu.memory_space<hbm>> -> memref<16x128xf32, #tpu.memory_space<hbm>>
      %dma_start3A_323 = arith.constant 0 : i32
      %dma_start3A_324 = arith.constant 0 : i32
      %dma_start3A_325 = tpu.memref_slice %arg6[%dma_start3A_316, %dma_start3A_323, %dma_start3A_324] : memref<16x16x128xf32, #tpu.memory_space<vmem>> -> memref<1x16x128xf32, #tpu.memory_space<vmem>>
      %dma_start3A_326 = tpu.memref_squeeze %dma_start3A_325 : memref<1x16x128xf32, #tpu.memory_space<vmem>> -> memref<16x128xf32, #tpu.memory_space<vmem>>
      %dma_start3A_327 = arith.constant 0 : i32
      %dma_start3A_328 = tpu.memref_slice %arg3[%dma_start3A_327, %multiple_of3A_315] : memref<16x1000000xf32, #tpu.memory_space<hbm>> -> memref<16x128xf32, #tpu.memory_space<hbm>>
      tpu.enqueue_dma source(%dma_start3A_328 : memref<16x128xf32, #tpu.memory_space<hbm>>) target(%dma_start3A_326 : memref<16x128xf32, #tpu.memory_space<vmem>>) target_semaphore(%arg8 : memref<!tpu.dma_semaphore, #tpu.memory_space<semaphore_mem>>)
      %dma_wait3A = arith.constant 0 : i32
      %dma_wait3A_329 = arith.constant 0 : i32
      %dma_wait3A_330 = arith.constant 0 : i32
      %dma_wait3A_331 = tpu.memref_slice %arg6[%dma_wait3A, %dma_wait3A_329, %dma_wait3A_330] : memref<16x16x128xf32, #tpu.memory_space<vmem>> -> memref<1x16x128xf32, #tpu.memory_space<vmem>>
      %dma_wait3A_332 = tpu.memref_squeeze %dma_wait3A_331 : memref<1x16x128xf32, #tpu.memory_space<vmem>> -> memref<16x128xf32, #tpu.memory_space<vmem>>
      %dma_wait3A_333 = arith.constant 0 : i32
      %dma_wait3A_334 = arith.constant 0 : i32
      %dma_wait3A_335 = tpu.memref_slice %arg3[%dma_wait3A_333, %dma_wait3A_334] : memref<16x1000000xf32, #tpu.memory_space<hbm>> -> memref<16x128xf32, #tpu.memory_space<hbm>>
      %dma_wait3A_336 = arith.constant 0 : i32
      %dma_wait3A_337 = arith.constant 0 : i32
      %dma_wait3A_338 = tpu.memref_slice %arg6[%dma_wait3A, %dma_wait3A_336, %dma_wait3A_337] : memref<16x16x128xf32, #tpu.memory_space<vmem>> -> memref<1x16x128xf32, #tpu.memory_space<vmem>>
      %dma_wait3A_339 = tpu.memref_squeeze %dma_wait3A_338 : memref<1x16x128xf32, #tpu.memory_space<vmem>> -> memref<16x128xf32, #tpu.memory_space<vmem>>
      %dma_wait3A_340 = arith.constant 0 : i32
      %dma_wait3A_341 = arith.constant 0 : i32
      %dma_wait3A_342 = tpu.memref_slice %arg3[%dma_wait3A_340, %dma_wait3A_341] : memref<16x1000000xf32, #tpu.memory_space<hbm>> -> memref<16x128xf32, #tpu.memory_space<hbm>>
      tpu.wait_dma2 semaphore(%arg8 : memref<!tpu.dma_semaphore, #tpu.memory_space<semaphore_mem>>) src(%dma_wait3A_342 : memref<16x128xf32, #tpu.memory_space<hbm>>) dst(%dma_wait3A_339 : memref<16x128xf32, #tpu.memory_space<vmem>>)
      %dma_wait3A_343 = arith.constant 1 : i32
      %dma_wait3A_344 = arith.constant 0 : i32
      %dma_wait3A_345 = arith.constant 0 : i32
      %dma_wait3A_346 = tpu.memref_slice %arg6[%dma_wait3A_343, %dma_wait3A_344, %dma_wait3A_345] : memref<16x16x128xf32, #tpu.memory_space<vmem>> -> memref<1x16x128xf32, #tpu.memory_space<vmem>>
      %dma_wait3A_347 = tpu.memref_squeeze %dma_wait3A_346 : memref<1x16x128xf32, #tpu.memory_space<vmem>> -> memref<16x128xf32, #tpu.memory_space<vmem>>
      %dma_wait3A_348 = arith.constant 0 : i32
      %dma_wait3A_349 = arith.constant 0 : i32
      %dma_wait3A_350 = tpu.memref_slice %arg3[%dma_wait3A_348, %dma_wait3A_349] : memref<16x1000000xf32, #tpu.memory_space<hbm>> -> memref<16x128xf32, #tpu.memory_space<hbm>>
      %dma_wait3A_351 = arith.constant 0 : i32
      %dma_wait3A_352 = arith.constant 0 : i32
      %dma_wait3A_353 = tpu.memref_slice %arg6[%dma_wait3A_343, %dma_wait3A_351, %dma_wait3A_352] : memref<16x16x128xf32, #tpu.memory_space<vmem>> -> memref<1x16x128xf32, #tpu.memory_space<vmem>>
      %dma_wait3A_354 = tpu.memref_squeeze %dma_wait3A_353 : memref<1x16x128xf32, #tpu.memory_space<vmem>> -> memref<16x128xf32, #tpu.memory_space<vmem>>
      %dma_wait3A_355 = arith.constant 0 : i32
      %dma_wait3A_356 = arith.constant 0 : i32
      %dma_wait3A_357 = tpu.memref_slice %arg3[%dma_wait3A_355, %dma_wait3A_356] : memref<16x1000000xf32, #tpu.memory_space<hbm>> -> memref<16x128xf32, #tpu.memory_space<hbm>>
      tpu.wait_dma2 semaphore(%arg8 : memref<!tpu.dma_semaphore, #tpu.memory_space<semaphore_mem>>) src(%dma_wait3A_357 : memref<16x128xf32, #tpu.memory_space<hbm>>) dst(%dma_wait3A_354 : memref<16x128xf32, #tpu.memory_space<vmem>>)
      %dma_wait3A_358 = arith.constant 2 : i32
      %dma_wait3A_359 = arith.constant 0 : i32
      %dma_wait3A_360 = arith.constant 0 : i32
      %dma_wait3A_361 = tpu.memref_slice %arg6[%dma_wait3A_358, %dma_wait3A_359, %dma_wait3A_360] : memref<16x16x128xf32, #tpu.memory_space<vmem>> -> memref<1x16x128xf32, #tpu.memory_space<vmem>>
      %dma_wait3A_362 = tpu.memref_squeeze %dma_wait3A_361 : memref<1x16x128xf32, #tpu.memory_space<vmem>> -> memref<16x128xf32, #tpu.memory_space<vmem>>
      %dma_wait3A_363 = arith.constant 0 : i32
      %dma_wait3A_364 = arith.constant 0 : i32
      %dma_wait3A_365 = tpu.memref_slice %arg3[%dma_wait3A_363, %dma_wait3A_364] : memref<16x1000000xf32, #tpu.memory_space<hbm>> -> memref<16x128xf32, #tpu.memory_space<hbm>>
      %dma_wait3A_366 = arith.constant 0 : i32
      %dma_wait3A_367 = arith.constant 0 : i32
      %dma_wait3A_368 = tpu.memref_slice %arg6[%dma_wait3A_358, %dma_wait3A_366, %dma_wait3A_367] : memref<16x16x128xf32, #tpu.memory_space<vmem>> -> memref<1x16x128xf32, #tpu.memory_space<vmem>>
      %dma_wait3A_369 = tpu.memref_squeeze %dma_wait3A_368 : memref<1x16x128xf32, #tpu.memory_space<vmem>> -> memref<16x128xf32, #tpu.memory_space<vmem>>
      %dma_wait3A_370 = arith.constant 0 : i32
      %dma_wait3A_371 = arith.constant 0 : i32
      %dma_wait3A_372 = tpu.memref_slice %arg3[%dma_wait3A_370, %dma_wait3A_371] : memref<16x1000000xf32, #tpu.memory_space<hbm>> -> memref<16x128xf32, #tpu.memory_space<hbm>>
      tpu.wait_dma2 semaphore(%arg8 : memref<!tpu.dma_semaphore, #tpu.memory_space<semaphore_mem>>) src(%dma_wait3A_372 : memref<16x128xf32, #tpu.memory_space<hbm>>) dst(%dma_wait3A_369 : memref<16x128xf32, #tpu.memory_space<vmem>>)
      %dma_wait3A_373 = arith.constant 3 : i32
      %dma_wait3A_374 = arith.constant 0 : i32
      %dma_wait3A_375 = arith.constant 0 : i32
      %dma_wait3A_376 = tpu.memref_slice %arg6[%dma_wait3A_373, %dma_wait3A_374, %dma_wait3A_375] : memref<16x16x128xf32, #tpu.memory_space<vmem>> -> memref<1x16x128xf32, #tpu.memory_space<vmem>>
      %dma_wait3A_377 = tpu.memref_squeeze %dma_wait3A_376 : memref<1x16x128xf32, #tpu.memory_space<vmem>> -> memref<16x128xf32, #tpu.memory_space<vmem>>
      %dma_wait3A_378 = arith.constant 0 : i32
      %dma_wait3A_379 = arith.constant 0 : i32
      %dma_wait3A_380 = tpu.memref_slice %arg3[%dma_wait3A_378, %dma_wait3A_379] : memref<16x1000000xf32, #tpu.memory_space<hbm>> -> memref<16x128xf32, #tpu.memory_space<hbm>>
      %dma_wait3A_381 = arith.constant 0 : i32
      %dma_wait3A_382 = arith.constant 0 : i32
      %dma_wait3A_383 = tpu.memref_slice %arg6[%dma_wait3A_373, %dma_wait3A_381, %dma_wait3A_382] : memref<16x16x128xf32, #tpu.memory_space<vmem>> -> memref<1x16x128xf32, #tpu.memory_space<vmem>>
      %dma_wait3A_384 = tpu.memref_squeeze %dma_wait3A_383 : memref<1x16x128xf32, #tpu.memory_space<vmem>> -> memref<16x128xf32, #tpu.memory_space<vmem>>
      %dma_wait3A_385 = arith.constant 0 : i32
      %dma_wait3A_386 = arith.constant 0 : i32
      %dma_wait3A_387 = tpu.memref_slice %arg3[%dma_wait3A_385, %dma_wait3A_386] : memref<16x1000000xf32, #tpu.memory_space<hbm>> -> memref<16x128xf32, #tpu.memory_space<hbm>>
      tpu.wait_dma2 semaphore(%arg8 : memref<!tpu.dma_semaphore, #tpu.memory_space<semaphore_mem>>) src(%dma_wait3A_387 : memref<16x128xf32, #tpu.memory_space<hbm>>) dst(%dma_wait3A_384 : memref<16x128xf32, #tpu.memory_space<vmem>>)
      %dma_wait3A_388 = arith.constant 4 : i32
      %dma_wait3A_389 = arith.constant 0 : i32
      %dma_wait3A_390 = arith.constant 0 : i32
      %dma_wait3A_391 = tpu.memref_slice %arg6[%dma_wait3A_388, %dma_wait3A_389, %dma_wait3A_390] : memref<16x16x128xf32, #tpu.memory_space<vmem>> -> memref<1x16x128xf32, #tpu.memory_space<vmem>>
      %dma_wait3A_392 = tpu.memref_squeeze %dma_wait3A_391 : memref<1x16x128xf32, #tpu.memory_space<vmem>> -> memref<16x128xf32, #tpu.memory_space<vmem>>
      %dma_wait3A_393 = arith.constant 0 : i32
      %dma_wait3A_394 = arith.constant 0 : i32
      %dma_wait3A_395 = tpu.memref_slice %arg3[%dma_wait3A_393, %dma_wait3A_394] : memref<16x1000000xf32, #tpu.memory_space<hbm>> -> memref<16x128xf32, #tpu.memory_space<hbm>>
      %dma_wait3A_396 = arith.constant 0 : i32
      %dma_wait3A_397 = arith.constant 0 : i32
      %dma_wait3A_398 = tpu.memref_slice %arg6[%dma_wait3A_388, %dma_wait3A_396, %dma_wait3A_397] : memref<16x16x128xf32, #tpu.memory_space<vmem>> -> memref<1x16x128xf32, #tpu.memory_space<vmem>>
      %dma_wait3A_399 = tpu.memref_squeeze %dma_wait3A_398 : memref<1x16x128xf32, #tpu.memory_space<vmem>> -> memref<16x128xf32, #tpu.memory_space<vmem>>
      %dma_wait3A_400 = arith.constant 0 : i32
      %dma_wait3A_401 = arith.constant 0 : i32
      %dma_wait3A_402 = tpu.memref_slice %arg3[%dma_wait3A_400, %dma_wait3A_401] : memref<16x1000000xf32, #tpu.memory_space<hbm>> -> memref<16x128xf32, #tpu.memory_space<hbm>>
      tpu.wait_dma2 semaphore(%arg8 : memref<!tpu.dma_semaphore, #tpu.memory_space<semaphore_mem>>) src(%dma_wait3A_402 : memref<16x128xf32, #tpu.memory_space<hbm>>) dst(%dma_wait3A_399 : memref<16x128xf32, #tpu.memory_space<vmem>>)
      %dma_wait3A_403 = arith.constant 5 : i32
      %dma_wait3A_404 = arith.constant 0 : i32
      %dma_wait3A_405 = arith.constant 0 : i32
      %dma_wait3A_406 = tpu.memref_slice %arg6[%dma_wait3A_403, %dma_wait3A_404, %dma_wait3A_405] : memref<16x16x128xf32, #tpu.memory_space<vmem>> -> memref<1x16x128xf32, #tpu.memory_space<vmem>>
      %dma_wait3A_407 = tpu.memref_squeeze %dma_wait3A_406 : memref<1x16x128xf32, #tpu.memory_space<vmem>> -> memref<16x128xf32, #tpu.memory_space<vmem>>
      %dma_wait3A_408 = arith.constant 0 : i32
      %dma_wait3A_409 = arith.constant 0 : i32
      %dma_wait3A_410 = tpu.memref_slice %arg3[%dma_wait3A_408, %dma_wait3A_409] : memref<16x1000000xf32, #tpu.memory_space<hbm>> -> memref<16x128xf32, #tpu.memory_space<hbm>>
      %dma_wait3A_411 = arith.constant 0 : i32
      %dma_wait3A_412 = arith.constant 0 : i32
      %dma_wait3A_413 = tpu.memref_slice %arg6[%dma_wait3A_403, %dma_wait3A_411, %dma_wait3A_412] : memref<16x16x128xf32, #tpu.memory_space<vmem>> -> memref<1x16x128xf32, #tpu.memory_space<vmem>>
      %dma_wait3A_414 = tpu.memref_squeeze %dma_wait3A_413 : memref<1x16x128xf32, #tpu.memory_space<vmem>> -> memref<16x128xf32, #tpu.memory_space<vmem>>
      %dma_wait3A_415 = arith.constant 0 : i32
      %dma_wait3A_416 = arith.constant 0 : i32
      %dma_wait3A_417 = tpu.memref_slice %arg3[%dma_wait3A_415, %dma_wait3A_416] : memref<16x1000000xf32, #tpu.memory_space<hbm>> -> memref<16x128xf32, #tpu.memory_space<hbm>>
      tpu.wait_dma2 semaphore(%arg8 : memref<!tpu.dma_semaphore, #tpu.memory_space<semaphore_mem>>) src(%dma_wait3A_417 : memref<16x128xf32, #tpu.memory_space<hbm>>) dst(%dma_wait3A_414 : memref<16x128xf32, #tpu.memory_space<vmem>>)
      %dma_wait3A_418 = arith.constant 6 : i32
      %dma_wait3A_419 = arith.constant 0 : i32
      %dma_wait3A_420 = arith.constant 0 : i32
      %dma_wait3A_421 = tpu.memref_slice %arg6[%dma_wait3A_418, %dma_wait3A_419, %dma_wait3A_420] : memref<16x16x128xf32, #tpu.memory_space<vmem>> -> memref<1x16x128xf32, #tpu.memory_space<vmem>>
      %dma_wait3A_422 = tpu.memref_squeeze %dma_wait3A_421 : memref<1x16x128xf32, #tpu.memory_space<vmem>> -> memref<16x128xf32, #tpu.memory_space<vmem>>
      %dma_wait3A_423 = arith.constant 0 : i32
      %dma_wait3A_424 = arith.constant 0 : i32
      %dma_wait3A_425 = tpu.memref_slice %arg3[%dma_wait3A_423, %dma_wait3A_424] : memref<16x1000000xf32, #tpu.memory_space<hbm>> -> memref<16x128xf32, #tpu.memory_space<hbm>>
      %dma_wait3A_426 = arith.constant 0 : i32
      %dma_wait3A_427 = arith.constant 0 : i32
      %dma_wait3A_428 = tpu.memref_slice %arg6[%dma_wait3A_418, %dma_wait3A_426, %dma_wait3A_427] : memref<16x16x128xf32, #tpu.memory_space<vmem>> -> memref<1x16x128xf32, #tpu.memory_space<vmem>>
      %dma_wait3A_429 = tpu.memref_squeeze %dma_wait3A_428 : memref<1x16x128xf32, #tpu.memory_space<vmem>> -> memref<16x128xf32, #tpu.memory_space<vmem>>
      %dma_wait3A_430 = arith.constant 0 : i32
      %dma_wait3A_431 = arith.constant 0 : i32
      %dma_wait3A_432 = tpu.memref_slice %arg3[%dma_wait3A_430, %dma_wait3A_431] : memref<16x1000000xf32, #tpu.memory_space<hbm>> -> memref<16x128xf32, #tpu.memory_space<hbm>>
      tpu.wait_dma2 semaphore(%arg8 : memref<!tpu.dma_semaphore, #tpu.memory_space<semaphore_mem>>) src(%dma_wait3A_432 : memref<16x128xf32, #tpu.memory_space<hbm>>) dst(%dma_wait3A_429 : memref<16x128xf32, #tpu.memory_space<vmem>>)
      %dma_wait3A_433 = arith.constant 7 : i32
      %dma_wait3A_434 = arith.constant 0 : i32
      %dma_wait3A_435 = arith.constant 0 : i32
      %dma_wait3A_436 = tpu.memref_slice %arg6[%dma_wait3A_433, %dma_wait3A_434, %dma_wait3A_435] : memref<16x16x128xf32, #tpu.memory_space<vmem>> -> memref<1x16x128xf32, #tpu.memory_space<vmem>>
      %dma_wait3A_437 = tpu.memref_squeeze %dma_wait3A_436 : memref<1x16x128xf32, #tpu.memory_space<vmem>> -> memref<16x128xf32, #tpu.memory_space<vmem>>
      %dma_wait3A_438 = arith.constant 0 : i32
      %dma_wait3A_439 = arith.constant 0 : i32
      %dma_wait3A_440 = tpu.memref_slice %arg3[%dma_wait3A_438, %dma_wait3A_439] : memref<16x1000000xf32, #tpu.memory_space<hbm>> -> memref<16x128xf32, #tpu.memory_space<hbm>>
      %dma_wait3A_441 = arith.constant 0 : i32
      %dma_wait3A_442 = arith.constant 0 : i32
      %dma_wait3A_443 = tpu.memref_slice %arg6[%dma_wait3A_433, %dma_wait3A_441, %dma_wait3A_442] : memref<16x16x128xf32, #tpu.memory_space<vmem>> -> memref<1x16x128xf32, #tpu.memory_space<vmem>>
      %dma_wait3A_444 = tpu.memref_squeeze %dma_wait3A_443 : memref<1x16x128xf32, #tpu.memory_space<vmem>> -> memref<16x128xf32, #tpu.memory_space<vmem>>
      %dma_wait3A_445 = arith.constant 0 : i32
      %dma_wait3A_446 = arith.constant 0 : i32
      %dma_wait3A_447 = tpu.memref_slice %arg3[%dma_wait3A_445, %dma_wait3A_446] : memref<16x1000000xf32, #tpu.memory_space<hbm>> -> memref<16x128xf32, #tpu.memory_space<hbm>>
      tpu.wait_dma2 semaphore(%arg8 : memref<!tpu.dma_semaphore, #tpu.memory_space<semaphore_mem>>) src(%dma_wait3A_447 : memref<16x128xf32, #tpu.memory_space<hbm>>) dst(%dma_wait3A_444 : memref<16x128xf32, #tpu.memory_space<vmem>>)
      %dma_wait3A_448 = arith.constant 8 : i32
      %dma_wait3A_449 = arith.constant 0 : i32
      %dma_wait3A_450 = arith.constant 0 : i32
      %dma_wait3A_451 = tpu.memref_slice %arg6[%dma_wait3A_448, %dma_wait3A_449, %dma_wait3A_450] : memref<16x16x128xf32, #tpu.memory_space<vmem>> -> memref<1x16x128xf32, #tpu.memory_space<vmem>>
      %dma_wait3A_452 = tpu.memref_squeeze %dma_wait3A_451 : memref<1x16x128xf32, #tpu.memory_space<vmem>> -> memref<16x128xf32, #tpu.memory_space<vmem>>
      %dma_wait3A_453 = arith.constant 0 : i32
      %dma_wait3A_454 = arith.constant 0 : i32
      %dma_wait3A_455 = tpu.memref_slice %arg3[%dma_wait3A_453, %dma_wait3A_454] : memref<16x1000000xf32, #tpu.memory_space<hbm>> -> memref<16x128xf32, #tpu.memory_space<hbm>>
      %dma_wait3A_456 = arith.constant 0 : i32
      %dma_wait3A_457 = arith.constant 0 : i32
      %dma_wait3A_458 = tpu.memref_slice %arg6[%dma_wait3A_448, %dma_wait3A_456, %dma_wait3A_457] : memref<16x16x128xf32, #tpu.memory_space<vmem>> -> memref<1x16x128xf32, #tpu.memory_space<vmem>>
      %dma_wait3A_459 = tpu.memref_squeeze %dma_wait3A_458 : memref<1x16x128xf32, #tpu.memory_space<vmem>> -> memref<16x128xf32, #tpu.memory_space<vmem>>
      %dma_wait3A_460 = arith.constant 0 : i32
      %dma_wait3A_461 = arith.constant 0 : i32
      %dma_wait3A_462 = tpu.memref_slice %arg3[%dma_wait3A_460, %dma_wait3A_461] : memref<16x1000000xf32, #tpu.memory_space<hbm>> -> memref<16x128xf32, #tpu.memory_space<hbm>>
      tpu.wait_dma2 semaphore(%arg8 : memref<!tpu.dma_semaphore, #tpu.memory_space<semaphore_mem>>) src(%dma_wait3A_462 : memref<16x128xf32, #tpu.memory_space<hbm>>) dst(%dma_wait3A_459 : memref<16x128xf32, #tpu.memory_space<vmem>>)
      %dma_wait3A_463 = arith.constant 9 : i32
      %dma_wait3A_464 = arith.constant 0 : i32
      %dma_wait3A_465 = arith.constant 0 : i32
      %dma_wait3A_466 = tpu.memref_slice %arg6[%dma_wait3A_463, %dma_wait3A_464, %dma_wait3A_465] : memref<16x16x128xf32, #tpu.memory_space<vmem>> -> memref<1x16x128xf32, #tpu.memory_space<vmem>>
      %dma_wait3A_467 = tpu.memref_squeeze %dma_wait3A_466 : memref<1x16x128xf32, #tpu.memory_space<vmem>> -> memref<16x128xf32, #tpu.memory_space<vmem>>
      %dma_wait3A_468 = arith.constant 0 : i32
      %dma_wait3A_469 = arith.constant 0 : i32
      %dma_wait3A_470 = tpu.memref_slice %arg3[%dma_wait3A_468, %dma_wait3A_469] : memref<16x1000000xf32, #tpu.memory_space<hbm>> -> memref<16x128xf32, #tpu.memory_space<hbm>>
      %dma_wait3A_471 = arith.constant 0 : i32
      %dma_wait3A_472 = arith.constant 0 : i32
      %dma_wait3A_473 = tpu.memref_slice %arg6[%dma_wait3A_463, %dma_wait3A_471, %dma_wait3A_472] : memref<16x16x128xf32, #tpu.memory_space<vmem>> -> memref<1x16x128xf32, #tpu.memory_space<vmem>>
      %dma_wait3A_474 = tpu.memref_squeeze %dma_wait3A_473 : memref<1x16x128xf32, #tpu.memory_space<vmem>> -> memref<16x128xf32, #tpu.memory_space<vmem>>
      %dma_wait3A_475 = arith.constant 0 : i32
      %dma_wait3A_476 = arith.constant 0 : i32
      %dma_wait3A_477 = tpu.memref_slice %arg3[%dma_wait3A_475, %dma_wait3A_476] : memref<16x1000000xf32, #tpu.memory_space<hbm>> -> memref<16x128xf32, #tpu.memory_space<hbm>>
      tpu.wait_dma2 semaphore(%arg8 : memref<!tpu.dma_semaphore, #tpu.memory_space<semaphore_mem>>) src(%dma_wait3A_477 : memref<16x128xf32, #tpu.memory_space<hbm>>) dst(%dma_wait3A_474 : memref<16x128xf32, #tpu.memory_space<vmem>>)
      %dma_wait3A_478 = arith.constant 10 : i32
      %dma_wait3A_479 = arith.constant 0 : i32
      %dma_wait3A_480 = arith.constant 0 : i32
      %dma_wait3A_481 = tpu.memref_slice %arg6[%dma_wait3A_478, %dma_wait3A_479, %dma_wait3A_480] : memref<16x16x128xf32, #tpu.memory_space<vmem>> -> memref<1x16x128xf32, #tpu.memory_space<vmem>>
      %dma_wait3A_482 = tpu.memref_squeeze %dma_wait3A_481 : memref<1x16x128xf32, #tpu.memory_space<vmem>> -> memref<16x128xf32, #tpu.memory_space<vmem>>
      %dma_wait3A_483 = arith.constant 0 : i32
      %dma_wait3A_484 = arith.constant 0 : i32
      %dma_wait3A_485 = tpu.memref_slice %arg3[%dma_wait3A_483, %dma_wait3A_484] : memref<16x1000000xf32, #tpu.memory_space<hbm>> -> memref<16x128xf32, #tpu.memory_space<hbm>>
      %dma_wait3A_486 = arith.constant 0 : i32
      %dma_wait3A_487 = arith.constant 0 : i32
      %dma_wait3A_488 = tpu.memref_slice %arg6[%dma_wait3A_478, %dma_wait3A_486, %dma_wait3A_487] : memref<16x16x128xf32, #tpu.memory_space<vmem>> -> memref<1x16x128xf32, #tpu.memory_space<vmem>>
      %dma_wait3A_489 = tpu.memref_squeeze %dma_wait3A_488 : memref<1x16x128xf32, #tpu.memory_space<vmem>> -> memref<16x128xf32, #tpu.memory_space<vmem>>
      %dma_wait3A_490 = arith.constant 0 : i32
      %dma_wait3A_491 = arith.constant 0 : i32
      %dma_wait3A_492 = tpu.memref_slice %arg3[%dma_wait3A_490, %dma_wait3A_491] : memref<16x1000000xf32, #tpu.memory_space<hbm>> -> memref<16x128xf32, #tpu.memory_space<hbm>>
      tpu.wait_dma2 semaphore(%arg8 : memref<!tpu.dma_semaphore, #tpu.memory_space<semaphore_mem>>) src(%dma_wait3A_492 : memref<16x128xf32, #tpu.memory_space<hbm>>) dst(%dma_wait3A_489 : memref<16x128xf32, #tpu.memory_space<vmem>>)
      %dma_wait3A_493 = arith.constant 11 : i32
      %dma_wait3A_494 = arith.constant 0 : i32
      %dma_wait3A_495 = arith.constant 0 : i32
      %dma_wait3A_496 = tpu.memref_slice %arg6[%dma_wait3A_493, %dma_wait3A_494, %dma_wait3A_495] : memref<16x16x128xf32, #tpu.memory_space<vmem>> -> memref<1x16x128xf32, #tpu.memory_space<vmem>>
      %dma_wait3A_497 = tpu.memref_squeeze %dma_wait3A_496 : memref<1x16x128xf32, #tpu.memory_space<vmem>> -> memref<16x128xf32, #tpu.memory_space<vmem>>
      %dma_wait3A_498 = arith.constant 0 : i32
      %dma_wait3A_499 = arith.constant 0 : i32
      %dma_wait3A_500 = tpu.memref_slice %arg3[%dma_wait3A_498, %dma_wait3A_499] : memref<16x1000000xf32, #tpu.memory_space<hbm>> -> memref<16x128xf32, #tpu.memory_space<hbm>>
      %dma_wait3A_501 = arith.constant 0 : i32
      %dma_wait3A_502 = arith.constant 0 : i32
      %dma_wait3A_503 = tpu.memref_slice %arg6[%dma_wait3A_493, %dma_wait3A_501, %dma_wait3A_502] : memref<16x16x128xf32, #tpu.memory_space<vmem>> -> memref<1x16x128xf32, #tpu.memory_space<vmem>>
      %dma_wait3A_504 = tpu.memref_squeeze %dma_wait3A_503 : memref<1x16x128xf32, #tpu.memory_space<vmem>> -> memref<16x128xf32, #tpu.memory_space<vmem>>
      %dma_wait3A_505 = arith.constant 0 : i32
      %dma_wait3A_506 = arith.constant 0 : i32
      %dma_wait3A_507 = tpu.memref_slice %arg3[%dma_wait3A_505, %dma_wait3A_506] : memref<16x1000000xf32, #tpu.memory_space<hbm>> -> memref<16x128xf32, #tpu.memory_space<hbm>>
      tpu.wait_dma2 semaphore(%arg8 : memref<!tpu.dma_semaphore, #tpu.memory_space<semaphore_mem>>) src(%dma_wait3A_507 : memref<16x128xf32, #tpu.memory_space<hbm>>) dst(%dma_wait3A_504 : memref<16x128xf32, #tpu.memory_space<vmem>>)
      %dma_wait3A_508 = arith.constant 12 : i32
      %dma_wait3A_509 = arith.constant 0 : i32
      %dma_wait3A_510 = arith.constant 0 : i32
      %dma_wait3A_511 = tpu.memref_slice %arg6[%dma_wait3A_508, %dma_wait3A_509, %dma_wait3A_510] : memref<16x16x128xf32, #tpu.memory_space<vmem>> -> memref<1x16x128xf32, #tpu.memory_space<vmem>>
      %dma_wait3A_512 = tpu.memref_squeeze %dma_wait3A_511 : memref<1x16x128xf32, #tpu.memory_space<vmem>> -> memref<16x128xf32, #tpu.memory_space<vmem>>
      %dma_wait3A_513 = arith.constant 0 : i32
      %dma_wait3A_514 = arith.constant 0 : i32
      %dma_wait3A_515 = tpu.memref_slice %arg3[%dma_wait3A_513, %dma_wait3A_514] : memref<16x1000000xf32, #tpu.memory_space<hbm>> -> memref<16x128xf32, #tpu.memory_space<hbm>>
      %dma_wait3A_516 = arith.constant 0 : i32
      %dma_wait3A_517 = arith.constant 0 : i32
      %dma_wait3A_518 = tpu.memref_slice %arg6[%dma_wait3A_508, %dma_wait3A_516, %dma_wait3A_517] : memref<16x16x128xf32, #tpu.memory_space<vmem>> -> memref<1x16x128xf32, #tpu.memory_space<vmem>>
      %dma_wait3A_519 = tpu.memref_squeeze %dma_wait3A_518 : memref<1x16x128xf32, #tpu.memory_space<vmem>> -> memref<16x128xf32, #tpu.memory_space<vmem>>
      %dma_wait3A_520 = arith.constant 0 : i32
      %dma_wait3A_521 = arith.constant 0 : i32
      %dma_wait3A_522 = tpu.memref_slice %arg3[%dma_wait3A_520, %dma_wait3A_521] : memref<16x1000000xf32, #tpu.memory_space<hbm>> -> memref<16x128xf32, #tpu.memory_space<hbm>>
      tpu.wait_dma2 semaphore(%arg8 : memref<!tpu.dma_semaphore, #tpu.memory_space<semaphore_mem>>) src(%dma_wait3A_522 : memref<16x128xf32, #tpu.memory_space<hbm>>) dst(%dma_wait3A_519 : memref<16x128xf32, #tpu.memory_space<vmem>>)
      %dma_wait3A_523 = arith.constant 13 : i32
      %dma_wait3A_524 = arith.constant 0 : i32
      %dma_wait3A_525 = arith.constant 0 : i32
      %dma_wait3A_526 = tpu.memref_slice %arg6[%dma_wait3A_523, %dma_wait3A_524, %dma_wait3A_525] : memref<16x16x128xf32, #tpu.memory_space<vmem>> -> memref<1x16x128xf32, #tpu.memory_space<vmem>>
      %dma_wait3A_527 = tpu.memref_squeeze %dma_wait3A_526 : memref<1x16x128xf32, #tpu.memory_space<vmem>> -> memref<16x128xf32, #tpu.memory_space<vmem>>
      %dma_wait3A_528 = arith.constant 0 : i32
      %dma_wait3A_529 = arith.constant 0 : i32
      %dma_wait3A_530 = tpu.memref_slice %arg3[%dma_wait3A_528, %dma_wait3A_529] : memref<16x1000000xf32, #tpu.memory_space<hbm>> -> memref<16x128xf32, #tpu.memory_space<hbm>>
      %dma_wait3A_531 = arith.constant 0 : i32
      %dma_wait3A_532 = arith.constant 0 : i32
      %dma_wait3A_533 = tpu.memref_slice %arg6[%dma_wait3A_523, %dma_wait3A_531, %dma_wait3A_532] : memref<16x16x128xf32, #tpu.memory_space<vmem>> -> memref<1x16x128xf32, #tpu.memory_space<vmem>>
      %dma_wait3A_534 = tpu.memref_squeeze %dma_wait3A_533 : memref<1x16x128xf32, #tpu.memory_space<vmem>> -> memref<16x128xf32, #tpu.memory_space<vmem>>
      %dma_wait3A_535 = arith.constant 0 : i32
      %dma_wait3A_536 = arith.constant 0 : i32
      %dma_wait3A_537 = tpu.memref_slice %arg3[%dma_wait3A_535, %dma_wait3A_536] : memref<16x1000000xf32, #tpu.memory_space<hbm>> -> memref<16x128xf32, #tpu.memory_space<hbm>>
      tpu.wait_dma2 semaphore(%arg8 : memref<!tpu.dma_semaphore, #tpu.memory_space<semaphore_mem>>) src(%dma_wait3A_537 : memref<16x128xf32, #tpu.memory_space<hbm>>) dst(%dma_wait3A_534 : memref<16x128xf32, #tpu.memory_space<vmem>>)
      %dma_wait3A_538 = arith.constant 14 : i32
      %dma_wait3A_539 = arith.constant 0 : i32
      %dma_wait3A_540 = arith.constant 0 : i32
      %dma_wait3A_541 = tpu.memref_slice %arg6[%dma_wait3A_538, %dma_wait3A_539, %dma_wait3A_540] : memref<16x16x128xf32, #tpu.memory_space<vmem>> -> memref<1x16x128xf32, #tpu.memory_space<vmem>>
      %dma_wait3A_542 = tpu.memref_squeeze %dma_wait3A_541 : memref<1x16x128xf32, #tpu.memory_space<vmem>> -> memref<16x128xf32, #tpu.memory_space<vmem>>
      %dma_wait3A_543 = arith.constant 0 : i32
      %dma_wait3A_544 = arith.constant 0 : i32
      %dma_wait3A_545 = tpu.memref_slice %arg3[%dma_wait3A_543, %dma_wait3A_544] : memref<16x1000000xf32, #tpu.memory_space<hbm>> -> memref<16x128xf32, #tpu.memory_space<hbm>>
      %dma_wait3A_546 = arith.constant 0 : i32
      %dma_wait3A_547 = arith.constant 0 : i32
      %dma_wait3A_548 = tpu.memref_slice %arg6[%dma_wait3A_538, %dma_wait3A_546, %dma_wait3A_547] : memref<16x16x128xf32, #tpu.memory_space<vmem>> -> memref<1x16x128xf32, #tpu.memory_space<vmem>>
      %dma_wait3A_549 = tpu.memref_squeeze %dma_wait3A_548 : memref<1x16x128xf32, #tpu.memory_space<vmem>> -> memref<16x128xf32, #tpu.memory_space<vmem>>
      %dma_wait3A_550 = arith.constant 0 : i32
      %dma_wait3A_551 = arith.constant 0 : i32
      %dma_wait3A_552 = tpu.memref_slice %arg3[%dma_wait3A_550, %dma_wait3A_551] : memref<16x1000000xf32, #tpu.memory_space<hbm>> -> memref<16x128xf32, #tpu.memory_space<hbm>>
      tpu.wait_dma2 semaphore(%arg8 : memref<!tpu.dma_semaphore, #tpu.memory_space<semaphore_mem>>) src(%dma_wait3A_552 : memref<16x128xf32, #tpu.memory_space<hbm>>) dst(%dma_wait3A_549 : memref<16x128xf32, #tpu.memory_space<vmem>>)
      %dma_wait3A_553 = arith.constant 15 : i32
      %dma_wait3A_554 = arith.constant 0 : i32
      %dma_wait3A_555 = arith.constant 0 : i32
      %dma_wait3A_556 = tpu.memref_slice %arg6[%dma_wait3A_553, %dma_wait3A_554, %dma_wait3A_555] : memref<16x16x128xf32, #tpu.memory_space<vmem>> -> memref<1x16x128xf32, #tpu.memory_space<vmem>>
      %dma_wait3A_557 = tpu.memref_squeeze %dma_wait3A_556 : memref<1x16x128xf32, #tpu.memory_space<vmem>> -> memref<16x128xf32, #tpu.memory_space<vmem>>
      %dma_wait3A_558 = arith.constant 0 : i32
      %dma_wait3A_559 = arith.constant 0 : i32
      %dma_wait3A_560 = tpu.memref_slice %arg3[%dma_wait3A_558, %dma_wait3A_559] : memref<16x1000000xf32, #tpu.memory_space<hbm>> -> memref<16x128xf32, #tpu.memory_space<hbm>>
      %dma_wait3A_561 = arith.constant 0 : i32
      %dma_wait3A_562 = arith.constant 0 : i32
      %dma_wait3A_563 = tpu.memref_slice %arg6[%dma_wait3A_553, %dma_wait3A_561, %dma_wait3A_562] : memref<16x16x128xf32, #tpu.memory_space<vmem>> -> memref<1x16x128xf32, #tpu.memory_space<vmem>>
      %dma_wait3A_564 = tpu.memref_squeeze %dma_wait3A_563 : memref<1x16x128xf32, #tpu.memory_space<vmem>> -> memref<16x128xf32, #tpu.memory_space<vmem>>
      %dma_wait3A_565 = arith.constant 0 : i32
      %dma_wait3A_566 = arith.constant 0 : i32
      %dma_wait3A_567 = tpu.memref_slice %arg3[%dma_wait3A_565, %dma_wait3A_566] : memref<16x1000000xf32, #tpu.memory_space<hbm>> -> memref<16x128xf32, #tpu.memory_space<hbm>>
      tpu.wait_dma2 semaphore(%arg8 : memref<!tpu.dma_semaphore, #tpu.memory_space<semaphore_mem>>) src(%dma_wait3A_567 : memref<16x128xf32, #tpu.memory_space<hbm>>) dst(%dma_wait3A_564 : memref<16x128xf32, #tpu.memory_space<vmem>>)
      %and3A = arith.constant 127 : i32
      %and3A_568 = vector.broadcast %and3A : i32 to vector<16xi32>
      %and3A_569 = arith.andi %get3A_14, %and3A_568 : vector<16xi32>
      %iota3A = tpu.iota {dimensions = array<i32: 0>} : vector<16xi32>
      %iota3A_570 = tpu.iota {dimensions = array<i32: 0>} : vector<16xi32>
      %mul3A_571 = arith.constant 16 : i32
      %mul3A_572 = arith.muli %add3A_11, %mul3A_571 : i32
      %add3A_573 = vector.broadcast %mul3A_572 : i32 to vector<16xi32>
      %add3A_574 = arith.addi %iota3A_570, %add3A_573 : vector<16xi32>
      %broadcast_in_dim3A = arith.constant 0 : i32
      %broadcast_in_dim3A_575 = vector.broadcast %broadcast_in_dim3A : i32 to vector<16xi32>
      %gather3A = tpu.vector_load_idx %arg6[%iota3A, %broadcast_in_dim3A_575, %and3A_569] : memref<16x16x128xf32, #tpu.memory_space<vmem>>[vector<16xi32>, vector<16xi32>, vector<16xi32>], vector<16xf32>,
      tpu.vector_store_idx %arg7[%add3A_574, %broadcast_in_dim3A_575], %gather3A : memref<512x16xf32, #tpu.memory_space<vmem>>[vector<16xi32>, vector<16xi32>], vector<16xf32>,
      %broadcast_in_dim3A_576 = arith.constant 1 : i32
      %broadcast_in_dim3A_577 = vector.broadcast %broadcast_in_dim3A_576 : i32 to vector<16xi32>
      %gather3A_578 = tpu.vector_load_idx %arg6[%iota3A, %broadcast_in_dim3A_577, %and3A_569] : memref<16x16x128xf32, #tpu.memory_space<vmem>>[vector<16xi32>, vector<16xi32>, vector<16xi32>], vector<16xf32>,
      tpu.vector_store_idx %arg7[%add3A_574, %broadcast_in_dim3A_577], %gather3A_578 : memref<512x16xf32, #tpu.memory_space<vmem>>[vector<16xi32>, vector<16xi32>], vector<16xf32>,
      %broadcast_in_dim3A_579 = arith.constant 2 : i32
      %broadcast_in_dim3A_580 = vector.broadcast %broadcast_in_dim3A_579 : i32 to vector<16xi32>
      %gather3A_581 = tpu.vector_load_idx %arg6[%iota3A, %broadcast_in_dim3A_580, %and3A_569] : memref<16x16x128xf32, #tpu.memory_space<vmem>>[vector<16xi32>, vector<16xi32>, vector<16xi32>], vector<16xf32>,
      tpu.vector_store_idx %arg7[%add3A_574, %broadcast_in_dim3A_580], %gather3A_581 : memref<512x16xf32, #tpu.memory_space<vmem>>[vector<16xi32>, vector<16xi32>], vector<16xf32>,
      %broadcast_in_dim3A_582 = arith.constant 3 : i32
      %broadcast_in_dim3A_583 = vector.broadcast %broadcast_in_dim3A_582 : i32 to vector<16xi32>
      %gather3A_584 = tpu.vector_load_idx %arg6[%iota3A, %broadcast_in_dim3A_583, %and3A_569] : memref<16x16x128xf32, #tpu.memory_space<vmem>>[vector<16xi32>, vector<16xi32>, vector<16xi32>], vector<16xf32>,
      tpu.vector_store_idx %arg7[%add3A_574, %broadcast_in_dim3A_583], %gather3A_584 : memref<512x16xf32, #tpu.memory_space<vmem>>[vector<16xi32>, vector<16xi32>], vector<16xf32>,
      %broadcast_in_dim3A_585 = arith.constant 4 : i32
      %broadcast_in_dim3A_586 = vector.broadcast %broadcast_in_dim3A_585 : i32 to vector<16xi32>
      %gather3A_587 = tpu.vector_load_idx %arg6[%iota3A, %broadcast_in_dim3A_586, %and3A_569] : memref<16x16x128xf32, #tpu.memory_space<vmem>>[vector<16xi32>, vector<16xi32>, vector<16xi32>], vector<16xf32>,
      tpu.vector_store_idx %arg7[%add3A_574, %broadcast_in_dim3A_586], %gather3A_587 : memref<512x16xf32, #tpu.memory_space<vmem>>[vector<16xi32>, vector<16xi32>], vector<16xf32>,
      %broadcast_in_dim3A_588 = arith.constant 5 : i32
      %broadcast_in_dim3A_589 = vector.broadcast %broadcast_in_dim3A_588 : i32 to vector<16xi32>
      %gather3A_590 = tpu.vector_load_idx %arg6[%iota3A, %broadcast_in_dim3A_589, %and3A_569] : memref<16x16x128xf32, #tpu.memory_space<vmem>>[vector<16xi32>, vector<16xi32>, vector<16xi32>], vector<16xf32>,
      tpu.vector_store_idx %arg7[%add3A_574, %broadcast_in_dim3A_589], %gather3A_590 : memref<512x16xf32, #tpu.memory_space<vmem>>[vector<16xi32>, vector<16xi32>], vector<16xf32>,
      %broadcast_in_dim3A_591 = arith.constant 6 : i32
      %broadcast_in_dim3A_592 = vector.broadcast %broadcast_in_dim3A_591 : i32 to vector<16xi32>
      %gather3A_593 = tpu.vector_load_idx %arg6[%iota3A, %broadcast_in_dim3A_592, %and3A_569] : memref<16x16x128xf32, #tpu.memory_space<vmem>>[vector<16xi32>, vector<16xi32>, vector<16xi32>], vector<16xf32>,
      tpu.vector_store_idx %arg7[%add3A_574, %broadcast_in_dim3A_592], %gather3A_593 : memref<512x16xf32, #tpu.memory_space<vmem>>[vector<16xi32>, vector<16xi32>], vector<16xf32>,
      %broadcast_in_dim3A_594 = arith.constant 7 : i32
      %broadcast_in_dim3A_595 = vector.broadcast %broadcast_in_dim3A_594 : i32 to vector<16xi32>
      %gather3A_596 = tpu.vector_load_idx %arg6[%iota3A, %broadcast_in_dim3A_595, %and3A_569] : memref<16x16x128xf32, #tpu.memory_space<vmem>>[vector<16xi32>, vector<16xi32>, vector<16xi32>], vector<16xf32>,
      tpu.vector_store_idx %arg7[%add3A_574, %broadcast_in_dim3A_595], %gather3A_596 : memref<512x16xf32, #tpu.memory_space<vmem>>[vector<16xi32>, vector<16xi32>], vector<16xf32>,
      %broadcast_in_dim3A_597 = arith.constant 8 : i32
      %broadcast_in_dim3A_598 = vector.broadcast %broadcast_in_dim3A_597 : i32 to vector<16xi32>
      %gather3A_599 = tpu.vector_load_idx %arg6[%iota3A, %broadcast_in_dim3A_598, %and3A_569] : memref<16x16x128xf32, #tpu.memory_space<vmem>>[vector<16xi32>, vector<16xi32>, vector<16xi32>], vector<16xf32>,
      tpu.vector_store_idx %arg7[%add3A_574, %broadcast_in_dim3A_598], %gather3A_599 : memref<512x16xf32, #tpu.memory_space<vmem>>[vector<16xi32>, vector<16xi32>], vector<16xf32>,
      %broadcast_in_dim3A_600 = arith.constant 9 : i32
      %broadcast_in_dim3A_601 = vector.broadcast %broadcast_in_dim3A_600 : i32 to vector<16xi32>
      %gather3A_602 = tpu.vector_load_idx %arg6[%iota3A, %broadcast_in_dim3A_601, %and3A_569] : memref<16x16x128xf32, #tpu.memory_space<vmem>>[vector<16xi32>, vector<16xi32>, vector<16xi32>], vector<16xf32>,
      tpu.vector_store_idx %arg7[%add3A_574, %broadcast_in_dim3A_601], %gather3A_602 : memref<512x16xf32, #tpu.memory_space<vmem>>[vector<16xi32>, vector<16xi32>], vector<16xf32>,
      %broadcast_in_dim3A_603 = arith.constant 10 : i32
      %broadcast_in_dim3A_604 = vector.broadcast %broadcast_in_dim3A_603 : i32 to vector<16xi32>
      %gather3A_605 = tpu.vector_load_idx %arg6[%iota3A, %broadcast_in_dim3A_604, %and3A_569] : memref<16x16x128xf32, #tpu.memory_space<vmem>>[vector<16xi32>, vector<16xi32>, vector<16xi32>], vector<16xf32>,
      tpu.vector_store_idx %arg7[%add3A_574, %broadcast_in_dim3A_604], %gather3A_605 : memref<512x16xf32, #tpu.memory_space<vmem>>[vector<16xi32>, vector<16xi32>], vector<16xf32>,
      %broadcast_in_dim3A_606 = arith.constant 11 : i32
      %broadcast_in_dim3A_607 = vector.broadcast %broadcast_in_dim3A_606 : i32 to vector<16xi32>
      %gather3A_608 = tpu.vector_load_idx %arg6[%iota3A, %broadcast_in_dim3A_607, %and3A_569] : memref<16x16x128xf32, #tpu.memory_space<vmem>>[vector<16xi32>, vector<16xi32>, vector<16xi32>], vector<16xf32>,
      tpu.vector_store_idx %arg7[%add3A_574, %broadcast_in_dim3A_607], %gather3A_608 : memref<512x16xf32, #tpu.memory_space<vmem>>[vector<16xi32>, vector<16xi32>], vector<16xf32>,
      %broadcast_in_dim3A_609 = arith.constant 12 : i32
      %broadcast_in_dim3A_610 = vector.broadcast %broadcast_in_dim3A_609 : i32 to vector<16xi32>
      %gather3A_611 = tpu.vector_load_idx %arg6[%iota3A, %broadcast_in_dim3A_610, %and3A_569] : memref<16x16x128xf32, #tpu.memory_space<vmem>>[vector<16xi32>, vector<16xi32>, vector<16xi32>], vector<16xf32>,
      tpu.vector_store_idx %arg7[%add3A_574, %broadcast_in_dim3A_610], %gather3A_611 : memref<512x16xf32, #tpu.memory_space<vmem>>[vector<16xi32>, vector<16xi32>], vector<16xf32>,
      %broadcast_in_dim3A_612 = arith.constant 13 : i32
      %broadcast_in_dim3A_613 = vector.broadcast %broadcast_in_dim3A_612 : i32 to vector<16xi32>
      %gather3A_614 = tpu.vector_load_idx %arg6[%iota3A, %broadcast_in_dim3A_613, %and3A_569] : memref<16x16x128xf32, #tpu.memory_space<vmem>>[vector<16xi32>, vector<16xi32>, vector<16xi32>], vector<16xf32>,
      tpu.vector_store_idx %arg7[%add3A_574, %broadcast_in_dim3A_613], %gather3A_614 : memref<512x16xf32, #tpu.memory_space<vmem>>[vector<16xi32>, vector<16xi32>], vector<16xf32>,
      %broadcast_in_dim3A_615 = arith.constant 14 : i32
      %broadcast_in_dim3A_616 = vector.broadcast %broadcast_in_dim3A_615 : i32 to vector<16xi32>
      %gather3A_617 = tpu.vector_load_idx %arg6[%iota3A, %broadcast_in_dim3A_616, %and3A_569] : memref<16x16x128xf32, #tpu.memory_space<vmem>>[vector<16xi32>, vector<16xi32>, vector<16xi32>], vector<16xf32>,
      tpu.vector_store_idx %arg7[%add3A_574, %broadcast_in_dim3A_616], %gather3A_617 : memref<512x16xf32, #tpu.memory_space<vmem>>[vector<16xi32>, vector<16xi32>], vector<16xf32>,
      %broadcast_in_dim3A_618 = arith.constant 15 : i32
      %broadcast_in_dim3A_619 = vector.broadcast %broadcast_in_dim3A_618 : i32 to vector<16xi32>
      %gather3A_620 = tpu.vector_load_idx %arg6[%iota3A, %broadcast_in_dim3A_619, %and3A_569] : memref<16x16x128xf32, #tpu.memory_space<vmem>>[vector<16xi32>, vector<16xi32>, vector<16xi32>], vector<16xf32>,
      tpu.vector_store_idx %arg7[%add3A_574, %broadcast_in_dim3A_619], %gather3A_620 : memref<512x16xf32, #tpu.memory_space<vmem>>[vector<16xi32>, vector<16xi32>], vector<16xf32>,
    }
    %scan3A_6 = arith.constant 32 : i32
    "tpu.region"() ({
      %run_scoped3A = tpu.sem_alloc : memref<!tpu.dma_semaphore, #tpu.memory_space<semaphore_mem>>
      %dma_start3A = arith.constant 0 : i32
      %dma_start3A_7 = tpu.memref_slice %arg4[%mul3A_2, %dma_start3A] : memref<16384x16xf32, #tpu.memory_space<hbm>> -> memref<512x16xf32, #tpu.memory_space<hbm>>
      %dma_start3A_8 = arith.constant 0 : i32
      %dma_start3A_9 = tpu.memref_slice %arg4[%mul3A_2, %dma_start3A_8] : memref<16384x16xf32, #tpu.memory_space<hbm>> -> memref<512x16xf32, #tpu.memory_space<hbm>>
      tpu.enqueue_dma source(%arg7 : memref<512x16xf32, #tpu.memory_space<vmem>>) target(%dma_start3A_9 : memref<512x16xf32, #tpu.memory_space<hbm>>) target_semaphore(%run_scoped3A : memref<!tpu.dma_semaphore, #tpu.memory_space<semaphore_mem>>)
      %dma_wait3A = arith.constant 0 : i32
      %dma_wait3A_10 = tpu.memref_slice %arg4[%mul3A_2, %dma_wait3A] : memref<16384x16xf32, #tpu.memory_space<hbm>> -> memref<512x16xf32, #tpu.memory_space<hbm>>
      %dma_wait3A_11 = arith.constant 0 : i32
      %dma_wait3A_12 = tpu.memref_slice %arg4[%mul3A_2, %dma_wait3A_11] : memref<16384x16xf32, #tpu.memory_space<hbm>> -> memref<512x16xf32, #tpu.memory_space<hbm>>
      tpu.wait_dma2 semaphore(%run_scoped3A : memref<!tpu.dma_semaphore, #tpu.memory_space<semaphore_mem>>) src(%arg7 : memref<512x16xf32, #tpu.memory_space<vmem>>) dst(%dma_wait3A_12 : memref<512x16xf32, #tpu.memory_space<hbm>>)
      tpu.yield
    }) : () -> ()
    return
  }
}

</mosaic_0001>

<sc_bundles>
// kernel: kernel.3.cloned.1.call-start
scs
__scs_entry_jumppad:
0x0: {  	(pc) =	sbr.rel $0x88, $3  }
0x1: {  	(tag) =	ssettag $0x0;
	lr =	simm.s32 $0x1  }
0x2: {  	[smem:$0x3F9F] =	sst lr;
	_ =	strace $0xD0000000  }
0x3: {  	_ = 	snop  }
0x4: {  	_ = 	snop  }
0x5: {  	_ = 	snop  }
0x6: {  	_ = 	snop  }
0x7: {  	_ = 	snop  }
__scs_overlays_trampoline_lowered:
0x8: {  	[smem:$0x3FAE] =	sst s0  }
0x9: {  	[smem:$0x3FAF] =	sst s1  }
0xa: {  	[smem:$0x3FB0] =	sst s2  }
0xb: {  	[smem:$0x3FB1] =	sst s3  }
0xc: {  	[smem:$0x3FB2] =	sst s4  }
0xd: {  	[smem:$0x3FB3] =	sst s5  }
0xe: {  	[smem:$0x3FB4] =	sst s6  }
0xf: {  	[smem:$0x3FB5] =	sst s7  }
0x10: {  	[smem:$0x3FB6] =	sst s8  }
0x11: {  	[smem:$0x3FB7] =	sst s9;
	s0 =	simm.s32 @!p0 $0x0  }
0x12: {  	s1 =	sld [smem:$0x3F9D];
	s0 =	simm.s32 @p0 $0x1  }
0x13: {  	[smem:$0x3FB8] =	sst s0;
	s0 =	simm.s32 @!p1 $0x0  }
0x14: {  	s2 =	sld [smem:$0x3F9C];
	s0 =	simm.s32 @p1 $0x1  }
0x15: {  	[smem:$0x3FB9] =	sst s0;
	s0 =	simm.s32 @!p2 $0x0  }
0x16: {  	s3 =	sld [smem:$0x3FDB];
	s0 =	simm.s32 @p2 $0x1  }
0x17: {  	s4 =	simm.s32 $0x1BF5;
	[smem:$0x3FBB] =	sst s0  }
0x18: {  	s0 =	sld [smem:$0x3F9E];
	_ =	swait.ge [sflag:s4], $0x0  }
0x19: {  	s7 =	sld [smem:$0x3F9F]  }
0x1a: {  	s8 =	sadd.s32 $0xFFFFE003, lr  }
0x1b: {  	s9 =	sadd.s32 $0xFFFFFEF7, lr;
	s5 =	simm.s32 $0xFFFFFFFF;
	p2 =	slt.u32 s8, $0xFFFFF086  }
0x1c: {  	p1 =	slt.u32 s9, $0xF7A;
	s5 =	simm.s32 @!p2 $0x0  }
0x1d: {  	s5 =	simm.s32 @p1 $0x1;
	p0 =	seq.s32 s7, s2  }
0x1e: {  	s7 =	smul.u32 @!p0 $0xF7A, s2;
	p2 =	seq.s32 @!p0 s5, $0x0  }
0x1f: {  	s9 =	smul.u32 $0xF7A, s1;
	s8 =	simm.s32 @!p0 $0x1BF5;
	p2 =	por !p2, p0  }
0x20: {  	[sflag:s8] =	ssyncset.s32 @!p0 $0xFFFFF086;
	s6 =	sadd.s32 @!p0 s3, s7;
	s7 =	simm.s32 @!p0 $0x108  }
0x21: {  	s3 =	sadd.s32 s3, s9;
	s6 =	sadd.s32 @!p0 $0x88, s6;
	s7 =	simm.s32 @p2 $0x1082  }
0x22: {  	[simem:s7], [sflag:s8] =	dma.local @!p0 [hbm:s6], $0xF7A  }
0x23: {  	s9 =	sor.u32 $0xD0000000, s2;
	s6 =	simm.s32 $0x108;
	_ =	swait.ge @!p0 [sflag:s8], $0x0  }
0x24: {  	s3 =	sadd.s32 $0x88, s3;
	s6 =	simm.s32 @!p1 $0x1082;
	[sflag:s4] =	ssyncset.s32 $0xFFFFF086  }
0x25: {  	[simem:s6], [sflag:s4] =	dma.local [hbm:s3], $0xF7A  }
0x26: {  	[smem:$0x3F9F] =	sst s1;
	(tag) =	ssettag s2;
	_ =	strace s9  }
0x27: {  	s1 =	sld [smem:$0x3FAF]  }
0x28: {  	s2 =	sld [smem:$0x3FB0]  }
0x29: {  	s4 =	sld [smem:$0x3FB2]  }
0x2a: {  	p0 =	seq.s32 s5, $0x0;
	s5 =	sld [smem:$0x3FB3]  }
0x2b: {  	s6 =	sld [smem:$0x3FB4]  }
0x2c: {  	s7 =	sld [smem:$0x3FB5]  }
0x2d: {  	s3 =	simm.s32 $0x108;
	s8 =	sld [smem:$0x3FB6]  }
0x2e: {  	s3 =	simm.s32 @!p0 $0x1082;
	s9 =	sld [smem:$0x3FB7]  }
0x2f: {  	lr =	sadd.s32 s0, s3;
	s0 =	sld [smem:$0x3FAE]  }
0x30: {  	s3 =	sld [smem:$0x3FB1]  }
0x31: {  	[smem:$0x3FBA] =	sst s10  }
0x32: {  	s10 =	sld [smem:$0x3FB8];
	_ =	sdelay $0x3  }
0x33: {  	p0 =	seq.s32 s10, $0x1;
	s10 =	sld [smem:$0x3FBA];
	_ =	sdelay $0x3  }
0x34: {  	[smem:$0x3FBA] =	sst s10  }
0x35: {  	s10 =	sld [smem:$0x3FB9];
	_ =	sdelay $0x3  }
0x36: {  	p1 =	seq.s32 s10, $0x1;
	s10 =	sld [smem:$0x3FBA];
	_ =	sdelay $0x3  }
0x37: {  	[smem:$0x3FBA] =	sst s10  }
0x38: {  	s10 =	sld [smem:$0x3FBB]  }
0x39: {  	_ = 	snop;
	(pc) =	sbr.ind lr, $3  }
0x3a: {  	_ = 	snop  }
0x3b: {  	_ = 	snop  }
0x3c: {  	p2 =	seq.s32 s10, $0x1;
	s10 =	sld [smem:$0x3FBA]  }
0x3d: {  	_ =	shalt  }
0x3e: {  	_ =	shalt  }
0x3f: {  	_ =	shalt  }
0x40: {  	_ =	shalt  }
0x41: {  	_ =	shalt  }
0x42: {  	_ =	shalt  }
0x43: {  	_ =	shalt  }
0x44: {  	_ =	shalt  }
0x45: {  	_ =	shalt  }
0x46: {  	_ =	shalt  }
0x47: {  	_ =	shalt  }
0x48: {  	_ =	shalt  }
0x49: {  	_ =	shalt  }
0x4a: {  	_ =	shalt  }
0x4b: {  	_ =	shalt  }
0x4c: {  	_ =	shalt  }
0x4d: {  	_ =	shalt  }
0x4e: {  	_ =	shalt  }
0x4f: {  	_ =	shalt  }
0x50: {  	_ =	shalt  }
0x51: {  	_ =	shalt  }
0x52: {  	_ =	shalt  }
0x53: {  	_ =	shalt  }
0x54: {  	_ =	shalt  }
0x55: {  	_ =	shalt  }
0x56: {  	_ =	shalt  }
0x57: {  	_ =	shalt  }
0x58: {  	_ =	shalt  }
0x59: {  	_ =	shalt  }
0x5a: {  	_ =	shalt  }
0x5b: {  	_ =	shalt  }
0x5c: {  	_ =	shalt  }
0x5d: {  	_ =	shalt  }
0x5e: {  	_ =	shalt  }
0x5f: {  	_ =	shalt  }
0x60: {  	_ =	shalt  }
0x61: {  	_ =	shalt  }
0x62: {  	_ =	shalt  }
0x63: {  	_ =	shalt  }
0x64: {  	_ =	shalt  }
0x65: {  	_ =	shalt  }
0x66: {  	_ =	shalt  }
0x67: {  	_ =	shalt  }
0x68: {  	_ =	shalt  }
0x69: {  	_ =	shalt  }
0x6a: {  	_ =	shalt  }
0x6b: {  	_ =	shalt  }
0x6c: {  	_ =	shalt  }
0x6d: {  	_ =	shalt  }
0x6e: {  	_ =	shalt  }
0x6f: {  	_ =	shalt  }
0x70: {  	_ =	shalt  }
0x71: {  	_ =	shalt  }
0x72: {  	_ =	shalt  }
0x73: {  	_ =	shalt  }
0x74: {  	_ =	shalt  }
0x75: {  	_ =	shalt  }
0x76: {  	_ =	shalt  }
0x77: {  	_ =	shalt  }
0x78: {  	_ =	shalt  }
0x79: {  	_ =	shalt  }
0x7a: {  	_ =	shalt  }
0x7b: {  	_ =	shalt  }
0x7c: {  	_ =	shalt  }
0x7d: {  	_ =	shalt  }
0x7e: {  	_ =	shalt  }
0x7f: {  	_ =	shalt  }
0x80: {  	_ =	shalt  }
0x81: {  	_ =	shalt  }
0x82: {  	_ =	shalt  }
0x83: {  	_ =	shalt  }
0x84: {  	_ =	shalt  }
0x85: {  	_ =	shalt  }
0x86: {  	_ =	shalt  }
0x87: {  	_ =	shalt  }
.Lfunc_end0:
.L_simem_size_0:
called_computation_lowered:
.L_overlay_start_0:
0x88: {  	s2 =	sld [smem:$0x3FD9]  }
0x89: {  	s3 =	sld [smem:$0x3FFE];
	_ =	sdelay $0x1  }
0x8a: {  	s1 =	srdreg.scid  }
0x8b: {  	s0 =	sand.u32 $0x1, s1  }
0x8c: {  	s17 =	sshll.u32 s0, $0xA;
	s2 =	sadd.s32 s3, s2  }
0x8d: {  	s2 =	sadd.s32 s2, s17  }
0x8e: {  	[smem:$0x3FC6] =	sst s2  }
0x8f: {  	_ = 	snop  }
0x90: {  	s2 =	sld [smem:$0x3FC9]  }
0x91: {  	s18 =	sld [smem:$0x3FC8];
	(tm) =	ssettm $0x1  }
0x92: {  	s4 =	sld [smem:$0x3FFB];
	_ =	sdelay $0x3  }
0x93: {  	_ =	strace s4  }
0x94: {  	s4 =	sld [smem:$0x3FFC];
	_ =	sdelay $0x3  }
0x95: {  	_ =	strace s4  }
0x96: {  	s4 =	sld [smem:$0x3FFD];
	_ =	sdelay $0x3  }
0x97: {  	_ =	strace s4  }
0x98: {  	_ =	strace $0x8FFFFFFF  }
0x99: {  	s19 =	sld [smem:$0x3FDB];
	_ =	sdelay $0x1  }
0x9a: {  	s5 =	simm.s32 $_scs_section_size  }
0x9b: {  	s6 =	simm.s32 $_size__tile_overlayer_lowered;
	s7 =	simm.s32 $_tile_overlayer_lowered  }
0x9c: {  	s22 =	simm.s32 $0x1BFF;
	s21 =	sshll.u32 s7, $0x1;
	s4 =	sadd.s32 s5, s19  }
0x9d: {  	s8 =	simm.s32 $0x0;
	s20 =	sshll.u32 s6, $0x1;
	s6 =	sadd.s32 s21, s4  }
0x9e: {  	[timem:s8], [sflag:s22] =	dma.local [hbm:s6], s20  }
0x9f: {  	_ =	swait.ge [sflag:s22], s20  }
0xa0: {  	s5 =	ssub.s32 $0x0, s20;
	[sflag:s22] =	ssyncset.done $0x0  }
0xa1: {  	[sflag:s22] =	ssyncadd.s32 s5;
	_ =	sdelay $0x1  }
0xa2: {  	s23 =	simm.s32 $0x1B8B  }
0xa3: {  	_ =	swait.ge [sflag:s23], $0x1  }
0xa4: {  	[sflag:s23] =	ssyncset.done $0x0  }
0xa5: {  	s25 =	simm.s32 $0x1B8E;
	s24 =	sld [smem:$0x3FFE];
	[sflag:s23] =	ssyncadd.s32 $0xFFFFFFFF  }
0xa6: {  	s26 =	simm.s32 $execute0_lowered;
	[smem:$0x3FD2] =	sst s25  }
0xa7: {  	s6 =	sshll.u32 s26, $0x1;
	_ =	strace $0x80000046;
	[dreg:$0x1] =	wrdreg $0xFFFFFFFF  }
0xa8: {  	s28 =	simm.s32 $_size_execute0_lowered;
	s4 =	sadd.s32 s4, s6;
	[dreg:$0x0] =	wrdreg $0x0  }
0xa9: {  	s6 =	sshll.u32 s28, $0x1;
	[dreg:$0x2] =	wrdreg s4  }
0xaa: {  	[dreg:$0x3] =	wrdreg s6  }
0xab: {  	[dreg:$0x4] =	wrdreg $0xC0  }
0xac: {  	_ =	task [dreg:s8], $0x5FFFF  }
0xad: {  	[dreg:$0x1] =	wrdreg $0xFFFFFFFF  }
0xae: {  	[dreg:$0x0] =	wrdreg $0x60  }
0xaf: {  	[dreg:$0x2] =	wrdreg s2  }
0xb0: {  	[dreg:$0x3] =	wrdreg s18  }
0xb1: {  	[dreg:$0x4] =	wrdreg s24  }
0xb2: {  	[dreg:$0x5] =	wrdreg $0x9  }
0xb3: {  	_ =	task.clear_ibuf [dreg:s8], $0x6FFFF;
	_ =	strace $0x90000046  }
0xb4: {  	s29 =	simm.s32 $0x9;
	_ =	strace $0x80000048  }
0xb5: {  	_ =	swait.ge [sflag:s29], $0x1  }
0xb6: {  	[sflag:s29] =	ssyncadd.s32 $0xFFFFFFFF  }
0xb7: {  	_ =	strace $0x90000048  }
0xb8: {  	_ =	sfence  }
0xb9: {  	s30 =	sld [smem:$0x0];
	_ =	sdelay $0x2  }
0xba: {  	s31 =	sshll.u32 s1, $0xD;
	s1 =	sshrl.u32 s1, $0x2  }
0xbb: {  	s3 =	sand.u32 $0x4000, s31;
	s1 =	sadd.s32 s1, s30  }
0xbc: {  	s0 =	sor.u32 s3, s0;
	s1 =	sshll.u32 s1, $0x11  }
0xbd: {  	s0 =	sor.u32 s1, s0  }
0xbe: {  	s0 =	sadd.s32 $0x8F2B, s0  }
0xbf: {  	[sflag:s0] =	ssyncadd.remote.s32 $0x1  }
0xc0: {  	_ =	sfence.sel $0xFFFF  }
0xc1: {  	[dreg:$0x0] =	wrdreg $0xFFFFFFFF;
	(pc) =	sbr.abs _section_cstart, $3  }
0xc2: {  	[dreg:$0x1] =	wrdreg $0xFFFFFFFF  }
0xc3: {  	_ =	task.clear_ibuf [dreg:s8], $0x2FFFF;
	_ =	strace $0x9FFFFFFF  }
0xc4: {  	(tm) =	ssettm $0x7FFFFFFF  }
0xc5: {  	_ =	shalt  }
tec
execute0_lowered:
.L_overlay_start_1:
0x0: {  	(tag) =	ssettag $0x1  }
0x1: {  	s4 =	rddreg [dreg:$0x0]  }
0x2: {  	s1 =	rddreg [dreg:$0x1]  }
0x3: {  	s5 =	rddreg [dreg:$0x2];
	s3 =	simm.s32 $0x0  }
0x4: {  	s7 =	simm.s32 $0xA00;
	[smem:$0x7FF] =	sst s3  }
0x5: {  	s16 =	simm.s32 $0x1200;
	_ =	strace $0x80000047;
	[dreg:$0x4] =	wrdreg s7  }
0x6: {  	s17 =	simm.s32 $0x1A00;
	[dreg:$0x5] =	wrdreg s16  }
0x7: {  	s18 =	simm.s32 $0x2200;
	[dreg:$0x6] =	wrdreg s17  }
0x8: {  	s19 =	simm.s32 $0x2A00;
	[dreg:$0x7] =	wrdreg s18  }
0x9: {  	s20 =	simm.s32 $0x3200;
	[dreg:$0x8] =	wrdreg s19  }
0xa: {  	s6 =	srdreg.scid;
	s21 =	simm.s32 $0x3A00;
	[dreg:$0x9] =	wrdreg s20  }
0xb: {  	s0 =	stileid.u32;
	s23 =	simm.s32 $0x4200;
	[dreg:$0xa] =	wrdreg s21  }
0xc: {  	s24 =	simm.s32 $0x4A00;
	s25 =	simm.s32 $0x5200;
	[dreg:$0xb] =	wrdreg s23  }
0xd: {  	s28 =	simm.s32 $0x5A00;
	s29 =	simm.s32 $0x6200;
	[dreg:$0xc] =	wrdreg s24  }
0xe: {  	s30 =	simm.s32 $0x6A00;
	s31 =	simm.s32 $0x7200;
	[dreg:$0xd] =	wrdreg s25  }
0xf: {  	s11 =	simm.s32 $0x7A00;
	s10 =	simm.s32 $0x200;
	[dreg:$0xe] =	wrdreg s28  }
0x10: {  	v1 =	vlaneseq.u32;
	s12 =	simm.s32 $0x8200;
	s13 =	simm.s32 $0x0;
	[dreg:$0xf] =	wrdreg s29  }
0x11: {  	s6 =	sand.u32 $0x1, s6;
	s8 =	sshll.u32 s0, $0xA;
	v0 =	vmul.u32 $0x800, v1;
	[dreg:$0x10] =	wrdreg s30  }
0x12: {  	v1 =	vmul.u32 $0x80, v1;
	s9 =	sshll.u32 s6, $0x9;
	s6 =	ssub.s32 $0x2, s6;
	[dreg:$0x11] =	wrdreg s31  }
0x13: {  	s7 =	simm.s32 $0x2;
	[dreg:$0x12] =	wrdreg s11;
	s8 =	sor.u32 s9, s8;
	v2 =	vor.u32 $0x80, v0;
	v3 =	vor.u32 $0x100, v0;
	v4 =	vor.u32 $0x180, v0  }
0x14: {  	s11 =	simm.s32 $0x1;
	s22 =	sshrl.u32 s6, $0x1;
	v5 =	vor.u32 $0x200, v0;
	v6 =	vor.u32 $0x280, v0;
	v7 =	vor.u32 $0x300, v0;
	s9 =	sshll.u32 s8, $0x4  }
0x15: {  	v8 =	vor.u32 $0x380, v0;
	v9 =	vor.u32 $0x400, v0;
	v10 =	vor.u32 $0x480, v0;
	s6 =	ssub.s32 s6, s22;
	s8 =	sshrl.u32 s8, $0x3;
	s5 =	sadd.s32 s9, s5  }
0x16: {  	v11 =	vor.u32 $0x500, v0;
	v12 =	vor.u32 $0x580, v0;
	v13 =	vor.u32 $0x600, v0;
	s26 =	sadd.s32 s4, s8;
	s6 =	smax.u32 s6, $0x1;
	s8 =	simm.s32 $0x400  }
0x17: {  	v14 =	vor.u32 $0x680, v0;
	v15 =	vor.u32 $0x700, v0;
	v16 =	vor.u32 $0x780, v0;
	s9 =	simm.s32 $0x7A1400;
	[dreg:$0x13] =	wrdreg s26;
	s5 =	sadd.s32 $0x400, s5  }
.LBB2_1:
0x18: {  	s0 =	rddreg [dreg:$0x13]  }
0x19: {  	[tilespmem:s3], [sflag:$0x2] =	stream.linear.gather [hbm4b:s0+s3], $0x200, $0x38;
	[tilespmem:$0x18200] =	vst v63  }
0x1a: {  	_ =	swait.ge [sflag:s7], $0x200  }
0x1b: {  	[sflag:s7] =	ssyncset.done $0x0  }
0x1c: {  	[sflag:s7] =	ssyncadd.s32 $0xFFFFFE00  }
0x1d: {  	v17 =	vld [tilespmem:s3+$0x0];
	_ =	sdelay $0x4  }
0x1e: {  	(v2sf) =	vpush v17, $0x0;
	_ =	sdelay $0x1  }
0x1f: {  	(v2sf) =	vpush v17, $0x1;
	_ =	sdelay $0x1  }
0x20: {  	(v2sf) =	vpush v17, $0x2;
	_ =	sdelay $0x2  }
0x21: {  	(v2sf) =	vpush v17, $0x3;
	_ =	sdelay $0x7  }
0x22: {  	s14 =	spop (v2sf);
	(v2sf) =	vpush v17, $0x4;
	_ =	sdelay $0x1  }
0x23: {  	s15 =	spop (v2sf);
	(v2sf) =	vpush v17, $0x5;
	_ =	sdelay $0x1  }
0x24: {  	s22 =	spop (v2sf);
	(v2sf) =	vpush v17, $0x6;
	_ =	sdelay $0x2  }
0x25: {  	s14 =	sand.u32 $0xFFFFF80, s14;
	s24 =	spop (v2sf);
	(v2sf) =	vpush v17, $0x7  }
0x26: {  	s14 =	sadd.s32 s1, s14;
	s15 =	sand.u32 $0xFFFFF80, s15  }
0x27: {  	[tilespmem:s10], [sflag:$0x1] =	stream.strided.gather [hbm4b:s14+s8], $0x800, s9, s8, $0x38;
	[tilespmem:$0x18200] =	vst v63  }
0x28: {  	s20 =	rddreg [dreg:$0x4];
	s15 =	sadd.s32 s1, s15  }
0x29: {  	[tilespmem:s20], [sflag:$0x1] =	stream.strided.gather [hbm4b:s15+s8], $0x800, s9, s8, $0x38;
	[tilespmem:$0x18200] =	vst v63  }
0x2a: {  	s15 =	sand.u32 $0xFFFFF80, s22  }
0x2b: {  	s21 =	rddreg [dreg:$0x5];
	s15 =	sadd.s32 s1, s15  }
0x2c: {  	[tilespmem:s21], [sflag:$0x1] =	stream.strided.gather [hbm4b:s15+s8], $0x800, s9, s8, $0x38;
	[tilespmem:$0x18200] =	vst v63  }
0x2d: {  	s26 =	spop (v2sf);
	(v2sf) =	vpush v17, $0x8  }
0x2e: {  	s15 =	sand.u32 $0xFFFFF80, s24  }
0x2f: {  	s23 =	rddreg [dreg:$0x6];
	s15 =	sadd.s32 s1, s15;
	s29 =	spop (v2sf);
	(v2sf) =	vpush v17, $0x9  }
0x30: {  	[tilespmem:s23], [sflag:$0x1] =	stream.strided.gather [hbm4b:s15+s8], $0x800, s9, s8, $0x38;
	[tilespmem:$0x18200] =	vst v63  }
0x31: {  	s15 =	sand.u32 $0xFFFFF80, s26;
	s31 =	spop (v2sf);
	(v2sf) =	vpush v17, $0xA  }
0x32: {  	s25 =	rddreg [dreg:$0x7];
	s15 =	sadd.s32 s1, s15  }
0x33: {  	[tilespmem:s25], [sflag:$0x1] =	stream.strided.gather [hbm4b:s15+s8], $0x800, s9, s8, $0x38;
	[tilespmem:$0x18200] =	vst v63  }
0x34: {  	s2 =	spop (v2sf);
	(v2sf) =	vpush v17, $0xB  }
0x35: {  	s15 =	sand.u32 $0xFFFFF80, s29  }
0x36: {  	s28 =	rddreg [dreg:$0x8];
	s15 =	sadd.s32 s1, s15  }
0x37: {  	[tilespmem:s28], [sflag:$0x1] =	stream.strided.gather [hbm4b:s15+s8], $0x800, s9, s8, $0x38;
	[tilespmem:$0x18200] =	vst v63  }
0x38: {  	s15 =	sand.u32 $0xFFFFF80, s31  }
0x39: {  	s30 =	rddreg [dreg:$0x9];
	s15 =	sadd.s32 s1, s15  }
0x3a: {  	[tilespmem:s30], [sflag:$0x1] =	stream.strided.gather [hbm4b:s15+s8], $0x800, s9, s8, $0x38;
	[tilespmem:$0x18200] =	vst v63  }
0x3b: {  	s15 =	sand.u32 $0xFFFFF80, s2  }
0x3c: {  	s0 =	rddreg [dreg:$0xa];
	s15 =	sadd.s32 s1, s15;
	s16 =	spop (v2sf);
	(v2sf) =	vpush v17, $0xC  }
0x3d: {  	[tilespmem:s0], [sflag:$0x1] =	stream.strided.gather [hbm4b:s15+s8], $0x800, s9, s8, $0x38;
	[tilespmem:$0x18200] =	vst v63  }
0x3e: {  	s18 =	spop (v2sf);
	(v2sf) =	vpush v17, $0xD  }
0x3f: {  	s15 =	sand.u32 $0xFFFFF80, s16  }
0x40: {  	s4 =	rddreg [dreg:$0xb];
	s15 =	sadd.s32 s1, s15;
	s20 =	spop (v2sf)  }
0x41: {  	(v2sf) =	vpush v17, $0xE;
	[tilespmem:s4], [sflag:$0x1] =	stream.strided.gather [hbm4b:s15+s8], $0x800, s9, s8, $0x38;
	[tilespmem:$0x18200] =	vst v63  }
0x42: {  	s15 =	sand.u32 $0xFFFFF80, s18  }
0x43: {  	s17 =	rddreg [dreg:$0xc];
	s22 =	spop (v2sf);
	(v2sf) =	vpush v17, $0xF;
	s15 =	sadd.s32 s1, s15  }
0x44: {  	[tilespmem:s17], [sflag:$0x1] =	stream.strided.gather [hbm4b:s15+s8], $0x800, s9, s8, $0x38;
	[tilespmem:$0x18200] =	vst v63  }
0x45: {  	s15 =	sand.u32 $0xFFFFF80, s20  }
0x46: {  	s19 =	rddreg [dreg:$0xd];
	s15 =	sadd.s32 s1, s15  }
0x47: {  	[tilespmem:s19], [sflag:$0x1] =	stream.strided.gather [hbm4b:s15+s8], $0x800, s9, s8, $0x38;
	[tilespmem:$0x18200] =	vst v63  }
0x48: {  	s15 =	sand.u32 $0xFFFFF80, s22  }
0x49: {  	s21 =	rddreg [dreg:$0xe];
	s15 =	sadd.s32 s1, s15  }
0x4a: {  	[tilespmem:s21], [sflag:$0x1] =	stream.strided.gather [hbm4b:s15+s8], $0x800, s9, s8, $0x38;
	[tilespmem:$0x18200] =	vst v63  }
0x4b: {  	s24 =	spop (v2sf)  }
0x4c: {  	s15 =	sand.u32 $0xFFFFF80, s24  }
0x4d: {  	s23 =	rddreg [dreg:$0xf];
	s26 =	spop (v2sf);
	s15 =	sadd.s32 s1, s15  }
0x4e: {  	[tilespmem:s23], [sflag:$0x1] =	stream.strided.gather [hbm4b:s15+s8], $0x800, s9, s8, $0x38;
	[tilespmem:$0x18200] =	vst v63  }
0x4f: {  	s15 =	sand.u32 $0xFFFFF80, s26  }
0x50: {  	s25 =	rddreg [dreg:$0x10];
	s29 =	spop (v2sf);
	s15 =	sadd.s32 s1, s15  }
0x51: {  	[tilespmem:s25], [sflag:$0x1] =	stream.strided.gather [hbm4b:s15+s8], $0x800, s9, s8, $0x38;
	[tilespmem:$0x18200] =	vst v63  }
0x52: {  	s30 =	spop (v2sf);
	s15 =	sand.u32 $0xFFFFF80, s29  }
0x53: {  	s28 =	rddreg [dreg:$0x11];
	s14 =	sand.u32 $0xFFFFF80, s30;
	s15 =	sadd.s32 s1, s15  }
0x54: {  	[tilespmem:s28], [sflag:$0x1] =	stream.strided.gather [hbm4b:s15+s8], $0x800, s9, s8, $0x38;
	[tilespmem:$0x18200] =	vst v63  }
0x55: {  	s31 =	rddreg [dreg:$0x12];
	s14 =	sadd.s32 s1, s14  }
0x56: {  	[tilespmem:s31], [sflag:$0x1] =	stream.strided.gather [hbm4b:s14+s8], $0x800, s9, s8, $0x38;
	[tilespmem:$0x18200] =	vst v63  }
0x57: {  	_ =	swait.ge [sflag:s11], $0x800  }
0x58: {  	[sflag:s11] =	ssyncset.done $0x0  }
0x59: {  	[sflag:s11] =	ssyncadd.s32 $0xFFFFF800  }
0x5a: {  	_ =	swait.ge [sflag:s11], $0x800  }
0x5b: {  	[sflag:s11] =	ssyncset.done $0x0  }
0x5c: {  	[sflag:s11] =	ssyncadd.s32 $0xFFFFF800  }
0x5d: {  	_ =	swait.ge [sflag:s11], $0x800  }
0x5e: {  	[sflag:s11] =	ssyncset.done $0x0  }
0x5f: {  	[sflag:s11] =	ssyncadd.s32 $0xFFFFF800  }
0x60: {  	_ =	swait.ge [sflag:s11], $0x800  }
0x61: {  	[sflag:s11] =	ssyncset.done $0x0  }
0x62: {  	[sflag:s11] =	ssyncadd.s32 $0xFFFFF800  }
0x63: {  	_ =	swait.ge [sflag:s11], $0x800  }
0x64: {  	[sflag:s11] =	ssyncset.done $0x0  }
0x65: {  	[sflag:s11] =	ssyncadd.s32 $0xFFFFF800  }
0x66: {  	_ =	swait.ge [sflag:s11], $0x800  }
0x67: {  	[sflag:s11] =	ssyncset.done $0x0  }
0x68: {  	[sflag:s11] =	ssyncadd.s32 $0xFFFFF800  }
0x69: {  	_ =	swait.ge [sflag:s11], $0x800  }
0x6a: {  	[sflag:s11] =	ssyncset.done $0x0  }
0x6b: {  	[sflag:s11] =	ssyncadd.s32 $0xFFFFF800  }
0x6c: {  	_ =	swait.ge [sflag:s11], $0x800  }
0x6d: {  	[sflag:s11] =	ssyncset.done $0x0  }
0x6e: {  	[sflag:s11] =	ssyncadd.s32 $0xFFFFF800  }
0x6f: {  	_ =	swait.ge [sflag:s11], $0x800  }
0x70: {  	[sflag:s11] =	ssyncset.done $0x0  }
0x71: {  	[sflag:s11] =	ssyncadd.s32 $0xFFFFF800  }
0x72: {  	_ =	swait.ge [sflag:s11], $0x800  }
0x73: {  	[sflag:s11] =	ssyncset.done $0x0  }
0x74: {  	[sflag:s11] =	ssyncadd.s32 $0xFFFFF800  }
0x75: {  	_ =	swait.ge [sflag:s11], $0x800  }
0x76: {  	[sflag:s11] =	ssyncset.done $0x0  }
0x77: {  	[sflag:s11] =	ssyncadd.s32 $0xFFFFF800  }
0x78: {  	_ =	swait.ge [sflag:s11], $0x800  }
0x79: {  	[sflag:s11] =	ssyncset.done $0x0  }
0x7a: {  	[sflag:s11] =	ssyncadd.s32 $0xFFFFF800  }
0x7b: {  	_ =	swait.ge [sflag:s11], $0x800  }
0x7c: {  	[sflag:s11] =	ssyncset.done $0x0  }
0x7d: {  	[sflag:s11] =	ssyncadd.s32 $0xFFFFF800  }
0x7e: {  	_ =	swait.ge [sflag:s11], $0x800  }
0x7f: {  	[sflag:s11] =	ssyncset.done $0x0  }
0x80: {  	[sflag:s11] =	ssyncadd.s32 $0xFFFFF800  }
0x81: {  	v17 =	vand.u32 $0x7F, v17;
	_ =	swait.ge [sflag:s11], $0x800  }
0x82: {  	v18 =	vor.u32 v0, v17;
	[sflag:s11] =	ssyncset.done $0x0  }
0x83: {  	[sflag:s11] =	ssyncadd.s32 $0xFFFFF800  }
0x84: {  	_ =	swait.ge [sflag:s11], $0x800  }
0x85: {  	v19 =	vmov s3;
	[sflag:s11] =	ssyncset.done $0x0  }
0x86: {  	v19 =	vshll.u32 v19, $0x7;
	[sflag:s11] =	ssyncadd.s32 $0xFFFFF800  }
0x87: {  	v19 =	vor.u32 v1, v19;
	v18 =	vld.idx.msk [tilespmem:v18+s10+$0x0], $0xffff  }
0x88: {  	v20 =	vor.u32 v2, v17;
	_ =	sdelay $0x3  }
0x89: {  	[tilespmem:v19+s12+$0x0] =	vst.idx.msk $0xffff, v18  }
0x8a: {  	v18 =	vld.idx.msk [tilespmem:v20+s10+$0x0], $0xffff;
	v20 =	vor.u32 $0x1, v19  }
0x8b: {  	v21 =	vor.u32 v3, v17;
	_ =	sdelay $0x3  }
0x8c: {  	[tilespmem:v20+s12+$0x0] =	vst.idx.msk $0xffff, v18  }
0x8d: {  	v20 =	vor.u32 $0x2, v19;
	v18 =	vld.idx.msk [tilespmem:v21+s10+$0x0], $0xffff  }
0x8e: {  	v52 =	vor.u32 v4, v17;
	_ =	sdelay $0x3  }
0x8f: {  	[tilespmem:v20+s12+$0x0] =	vst.idx.msk $0xffff, v18  }
0x90: {  	v20 =	vor.u32 $0x3, v19;
	v18 =	vld.idx.msk [tilespmem:v52+s10+$0x0], $0xffff  }
0x91: {  	v53 =	vor.u32 v5, v17;
	_ =	sdelay $0x3  }
0x92: {  	[tilespmem:v20+s12+$0x0] =	vst.idx.msk $0xffff, v18  }
0x93: {  	v20 =	vor.u32 $0x4, v19;
	v18 =	vld.idx.msk [tilespmem:v53+s10+$0x0], $0xffff  }
0x94: {  	v54 =	vor.u32 v6, v17;
	_ =	sdelay $0x3  }
0x95: {  	[tilespmem:v20+s12+$0x0] =	vst.idx.msk $0xffff, v18  }
0x96: {  	v20 =	vor.u32 $0x5, v19;
	v18 =	vld.idx.msk [tilespmem:v54+s10+$0x0], $0xffff  }
0x97: {  	v55 =	vor.u32 v7, v17;
	_ =	sdelay $0x3  }
0x98: {  	[tilespmem:v20+s12+$0x0] =	vst.idx.msk $0xffff, v18  }
0x99: {  	v20 =	vor.u32 $0x6, v19;
	v18 =	vld.idx.msk [tilespmem:v55+s10+$0x0], $0xffff  }
0x9a: {  	v56 =	vor.u32 v8, v17;
	_ =	sdelay $0x3  }
0x9b: {  	[tilespmem:v20+s12+$0x0] =	vst.idx.msk $0xffff, v18  }
0x9c: {  	v20 =	vor.u32 $0x7, v19;
	v18 =	vld.idx.msk [tilespmem:v56+s10+$0x0], $0xffff  }
0x9d: {  	v57 =	vor.u32 v9, v17;
	_ =	sdelay $0x3  }
0x9e: {  	[tilespmem:v20+s12+$0x0] =	vst.idx.msk $0xffff, v18  }
0x9f: {  	v20 =	vor.u32 $0x8, v19;
	v18 =	vld.idx.msk [tilespmem:v57+s10+$0x0], $0xffff  }
0xa0: {  	v58 =	vor.u32 v10, v17;
	_ =	sdelay $0x3  }
0xa1: {  	[tilespmem:v20+s12+$0x0] =	vst.idx.msk $0xffff, v18  }
0xa2: {  	v20 =	vor.u32 $0x9, v19;
	v18 =	vld.idx.msk [tilespmem:v58+s10+$0x0], $0xffff  }
0xa3: {  	v59 =	vor.u32 v11, v17;
	_ =	sdelay $0x3  }
0xa4: {  	[tilespmem:v20+s12+$0x0] =	vst.idx.msk $0xffff, v18  }
0xa5: {  	v20 =	vor.u32 $0xA, v19;
	v18 =	vld.idx.msk [tilespmem:v59+s10+$0x0], $0xffff  }
0xa6: {  	v60 =	vor.u32 v12, v17;
	_ =	sdelay $0x3  }
0xa7: {  	[tilespmem:v20+s12+$0x0] =	vst.idx.msk $0xffff, v18  }
0xa8: {  	v20 =	vor.u32 $0xB, v19;
	v18 =	vld.idx.msk [tilespmem:v60+s10+$0x0], $0xffff  }
0xa9: {  	v61 =	vor.u32 v13, v17;
	_ =	sdelay $0x3  }
0xaa: {  	[tilespmem:v20+s12+$0x0] =	vst.idx.msk $0xffff, v18  }
0xab: {  	v20 =	vor.u32 $0xC, v19;
	v18 =	vld.idx.msk [tilespmem:v61+s10+$0x0], $0xffff  }
0xac: {  	v62 =	vor.u32 v14, v17;
	_ =	sdelay $0x3  }
0xad: {  	[tilespmem:v20+s12+$0x0] =	vst.idx.msk $0xffff, v18  }
0xae: {  	v20 =	vor.u32 $0xD, v19;
	v18 =	vld.idx.msk [tilespmem:v62+s10+$0x0], $0xffff  }
0xaf: {  	v63 =	vor.u32 v15, v17;
	_ =	sdelay $0x3  }
0xb0: {  	[tilespmem:v20+s12+$0x0] =	vst.idx.msk $0xffff, v18  }
0xb1: {  	v20 =	vor.u32 $0xE, v19;
	v18 =	vld.idx.msk [tilespmem:v63+s10+$0x0], $0xffff  }
0xb2: {  	v17 =	vor.u32 v16, v17;
	_ =	sdelay $0x3  }
0xb3: {  	[tilespmem:v20+s12+$0x0] =	vst.idx.msk $0xffff, v18  }
0xb4: {  	s15 =	simm.s32 $0x0;
	s14 =	simm.s32 $0x10;
	v18 =	vor.u32 $0xF, v19;
	v17 =	vld.idx.msk [tilespmem:v17+s10+$0x0], $0xffff  }
.LBB2_2:
0xb5: {  	_ =	sdelay $0x3  }
0xb6: {  	s15 =	sadd.s32 $0x10, s15;
	[tilespmem:v18+s12+$0x0] =	vst.idx.msk $0xffff, v17  }
0xb7: {  	v18 =	vld [tilespmem:s15+$0x0];
	_ =	sdelay $0x4  }
0xb8: {  	(v2sf) =	vpush v18, $0x0  }
0xb9: {  	(v2sf) =	vpush v18, $0x1  }
0xba: {  	(v2sf) =	vpush v18, $0x2;
	_ =	sdelay $0x1  }
0xbb: {  	s18 =	rddreg [dreg:$0x10];
	(v2sf) =	vpush v18, $0x3  }
0xbc: {  	s19 =	rddreg [dreg:$0xf]  }
0xbd: {  	s20 =	rddreg [dreg:$0xe];
	(v2sf) =	vpush v18, $0x4  }
0xbe: {  	s21 =	rddreg [dreg:$0xd]  }
0xbf: {  	s22 =	rddreg [dreg:$0xc];
	(v2sf) =	vpush v18, $0x5  }
0xc0: {  	s23 =	rddreg [dreg:$0xb]  }
0xc1: {  	s24 =	rddreg [dreg:$0xa];
	(v2sf) =	vpush v18, $0x6  }
0xc2: {  	s25 =	rddreg [dreg:$0x9]  }
0xc3: {  	s26 =	rddreg [dreg:$0x8];
	(v2sf) =	vpush v18, $0x7  }
0xc4: {  	s28 =	rddreg [dreg:$0x7]  }
0xc5: {  	s29 =	rddreg [dreg:$0x6];
	(v2sf) =	vpush v18, $0x8  }
0xc6: {  	s30 =	rddreg [dreg:$0x5];
	s31 =	spop (v2sf)  }
0xc7: {  	s0 =	rddreg [dreg:$0x4];
	s31 =	sand.u32 $0xFFFFF80, s31;
	s2 =	spop (v2sf);
	(v2sf) =	vpush v18, $0x9  }
0xc8: {  	s31 =	sadd.s32 s1, s31;
	s2 =	sand.u32 $0xFFFFF80, s2;
	s4 =	spop (v2sf)  }
0xc9: {  	(v2sf) =	vpush v18, $0xA;
	[tilespmem:s10], [sflag:$0x1] =	stream.strided.gather [hbm4b:s31+s8], $0x800, s9, s8, $0x38;
	[tilespmem:$0x18200] =	vst v63  }
0xca: {  	s2 =	sadd.s32 s1, s2;
	s4 =	sand.u32 $0xFFFFF80, s4;
	s31 =	spop (v2sf)  }
0xcb: {  	(v2sf) =	vpush v18, $0xB;
	[tilespmem:s0], [sflag:$0x1] =	stream.strided.gather [hbm4b:s2+s8], $0x800, s9, s8, $0x38;
	[tilespmem:$0x18200] =	vst v63  }
0xcc: {  	s2 =	sadd.s32 s1, s4;
	s4 =	sand.u32 $0xFFFFF80, s31;
	s31 =	spop (v2sf)  }
0xcd: {  	(v2sf) =	vpush v18, $0xC;
	[tilespmem:s30], [sflag:$0x1] =	stream.strided.gather [hbm4b:s2+s8], $0x800, s9, s8, $0x38;
	[tilespmem:$0x18200] =	vst v63  }
0xce: {  	s2 =	sadd.s32 s1, s4;
	s30 =	sand.u32 $0xFFFFF80, s31;
	s31 =	spop (v2sf)  }
0xcf: {  	(v2sf) =	vpush v18, $0xD;
	[tilespmem:s29], [sflag:$0x1] =	stream.strided.gather [hbm4b:s2+s8], $0x800, s9, s8, $0x38;
	[tilespmem:$0x18200] =	vst v63  }
0xd0: {  	s29 =	sadd.s32 s1, s30;
	s30 =	sand.u32 $0xFFFFF80, s31;
	s31 =	spop (v2sf)  }
0xd1: {  	(v2sf) =	vpush v18, $0xE;
	[tilespmem:s28], [sflag:$0x1] =	stream.strided.gather [hbm4b:s29+s8], $0x800, s9, s8, $0x38;
	[tilespmem:$0x18200] =	vst v63  }
0xd2: {  	s2 =	sadd.s32 s1, s30;
	s4 =	sand.u32 $0xFFFFF80, s31;
	s28 =	spop (v2sf)  }
0xd3: {  	(v2sf) =	vpush v18, $0xF;
	[tilespmem:s26], [sflag:$0x1] =	stream.strided.gather [hbm4b:s2+s8], $0x800, s9, s8, $0x38;
	[tilespmem:$0x18200] =	vst v63  }
0xd4: {  	s29 =	sadd.s32 s1, s4;
	s30 =	sand.u32 $0xFFFFF80, s28;
	s31 =	spop (v2sf)  }
0xd5: {  	[tilespmem:s25], [sflag:$0x1] =	stream.strided.gather [hbm4b:s29+s8], $0x800, s9, s8, $0x38;
	[tilespmem:$0x18200] =	vst v63  }
0xd6: {  	s26 =	sand.u32 $0xFFFFF80, s31;
	s25 =	sadd.s32 s1, s30;
	s28 =	spop (v2sf)  }
0xd7: {  	[tilespmem:s24], [sflag:$0x1] =	stream.strided.gather [hbm4b:s25+s8], $0x800, s9, s8, $0x38;
	[tilespmem:$0x18200] =	vst v63  }
0xd8: {  	s29 =	sadd.s32 s1, s26;
	s30 =	sand.u32 $0xFFFFF80, s28;
	s31 =	spop (v2sf)  }
0xd9: {  	[tilespmem:s23], [sflag:$0x1] =	stream.strided.gather [hbm4b:s29+s8], $0x800, s9, s8, $0x38;
	[tilespmem:$0x18200] =	vst v63  }
0xda: {  	s2 =	sadd.s32 s1, s30;
	s24 =	spop (v2sf);
	s23 =	sand.u32 $0xFFFFF80, s31  }
0xdb: {  	[tilespmem:s22], [sflag:$0x1] =	stream.strided.gather [hbm4b:s2+s8], $0x800, s9, s8, $0x38;
	[tilespmem:$0x18200] =	vst v63  }
0xdc: {  	s26 =	sand.u32 $0xFFFFF80, s24;
	s25 =	sadd.s32 s1, s23;
	s28 =	spop (v2sf)  }
0xdd: {  	[tilespmem:s21], [sflag:$0x1] =	stream.strided.gather [hbm4b:s25+s8], $0x800, s9, s8, $0x38;
	[tilespmem:$0x18200] =	vst v63  }
0xde: {  	s29 =	sadd.s32 s1, s26;
	s30 =	sand.u32 $0xFFFFF80, s28;
	s31 =	spop (v2sf)  }
0xdf: {  	[tilespmem:s20], [sflag:$0x1] =	stream.strided.gather [hbm4b:s29+s8], $0x800, s9, s8, $0x38;
	[tilespmem:$0x18200] =	vst v63  }
0xe0: {  	s21 =	sadd.s32 s1, s30;
	s22 =	sand.u32 $0xFFFFF80, s31;
	s23 =	spop (v2sf)  }
0xe1: {  	[tilespmem:s19], [sflag:$0x1] =	stream.strided.gather [hbm4b:s21+s8], $0x800, s9, s8, $0x38;
	[tilespmem:$0x18200] =	vst v63  }
0xe2: {  	s24 =	sadd.s32 s1, s22;
	s25 =	sand.u32 $0xFFFFF80, s23;
	s26 =	spop (v2sf)  }
0xe3: {  	[tilespmem:s18], [sflag:$0x1] =	stream.strided.gather [hbm4b:s24+s8], $0x800, s9, s8, $0x38;
	[tilespmem:$0x18200] =	vst v63  }
0xe4: {  	s17 =	rddreg [dreg:$0x11];
	s28 =	sadd.s32 s1, s25;
	s29 =	sand.u32 $0xFFFFF80, s26  }
0xe5: {  	[tilespmem:s17], [sflag:$0x1] =	stream.strided.gather [hbm4b:s28+s8], $0x800, s9, s8, $0x38;
	[tilespmem:$0x18200] =	vst v63  }
0xe6: {  	s30 =	rddreg [dreg:$0x12];
	s31 =	sadd.s32 s1, s29  }
0xe7: {  	[tilespmem:s30], [sflag:$0x1] =	stream.strided.gather [hbm4b:s31+s8], $0x800, s9, s8, $0x38;
	[tilespmem:$0x18200] =	vst v63  }
0xe8: {  	_ =	swait.ge [sflag:s11], $0x800  }
0xe9: {  	[sflag:s11] =	ssyncset.done $0x0  }
0xea: {  	[sflag:s11] =	ssyncadd.s32 $0xFFFFF800  }
0xeb: {  	_ =	swait.ge [sflag:s11], $0x800  }
0xec: {  	[sflag:s11] =	ssyncset.done $0x0  }
0xed: {  	[sflag:s11] =	ssyncadd.s32 $0xFFFFF800  }
0xee: {  	_ =	swait.ge [sflag:s11], $0x800  }
0xef: {  	[sflag:s11] =	ssyncset.done $0x0  }
0xf0: {  	[sflag:s11] =	ssyncadd.s32 $0xFFFFF800  }
0xf1: {  	_ =	swait.ge [sflag:s11], $0x800  }
0xf2: {  	[sflag:s11] =	ssyncset.done $0x0  }
0xf3: {  	[sflag:s11] =	ssyncadd.s32 $0xFFFFF800  }
0xf4: {  	_ =	swait.ge [sflag:s11], $0x800  }
0xf5: {  	[sflag:s11] =	ssyncset.done $0x0  }
0xf6: {  	[sflag:s11] =	ssyncadd.s32 $0xFFFFF800  }
0xf7: {  	_ =	swait.ge [sflag:s11], $0x800  }
0xf8: {  	[sflag:s11] =	ssyncset.done $0x0  }
0xf9: {  	[sflag:s11] =	ssyncadd.s32 $0xFFFFF800  }
0xfa: {  	_ =	swait.ge [sflag:s11], $0x800  }
0xfb: {  	[sflag:s11] =	ssyncset.done $0x0  }
0xfc: {  	[sflag:s11] =	ssyncadd.s32 $0xFFFFF800  }
0xfd: {  	_ =	swait.ge [sflag:s11], $0x800  }
0xfe: {  	[sflag:s11] =	ssyncset.done $0x0  }
0xff: {  	[sflag:s11] =	ssyncadd.s32 $0xFFFFF800  }
0x100: {  	_ =	swait.ge [sflag:s11], $0x800  }
0x101: {  	[sflag:s11] =	ssyncset.done $0x0  }
0x102: {  	[sflag:s11] =	ssyncadd.s32 $0xFFFFF800  }
0x103: {  	_ =	swait.ge [sflag:s11], $0x800  }
0x104: {  	[sflag:s11] =	ssyncset.done $0x0  }
0x105: {  	[sflag:s11] =	ssyncadd.s32 $0xFFFFF800  }
0x106: {  	_ =	swait.ge [sflag:s11], $0x800  }
0x107: {  	[sflag:s11] =	ssyncset.done $0x0  }
0x108: {  	[sflag:s11] =	ssyncadd.s32 $0xFFFFF800  }
0x109: {  	_ =	swait.ge [sflag:s11], $0x800  }
0x10a: {  	[sflag:s11] =	ssyncset.done $0x0  }
0x10b: {  	[sflag:s11] =	ssyncadd.s32 $0xFFFFF800  }
0x10c: {  	_ =	swait.ge [sflag:s11], $0x800  }
0x10d: {  	[sflag:s11] =	ssyncset.done $0x0  }
0x10e: {  	[sflag:s11] =	ssyncadd.s32 $0xFFFFF800  }
0x10f: {  	_ =	swait.ge [sflag:s11], $0x800  }
0x110: {  	[sflag:s11] =	ssyncset.done $0x0  }
0x111: {  	[sflag:s11] =	ssyncadd.s32 $0xFFFFF800  }
0x112: {  	v17 =	vand.u32 $0x7F, v18;
	_ =	swait.ge [sflag:s11], $0x800  }
0x113: {  	v18 =	vor.u32 v0, v17;
	[sflag:s11] =	ssyncset.done $0x0  }
0x114: {  	[sflag:s11] =	ssyncadd.s32 $0xFFFFF800  }
0x115: {  	s16 =	smov.u32 s14;
	_ =	swait.ge [sflag:s11], $0x800  }
0x116: {  	v19 =	vmov s16;
	[sflag:s11] =	ssyncset.done $0x0  }
0x117: {  	v19 =	vshll.u32 v19, $0x7;
	[sflag:s11] =	ssyncadd.s32 $0xFFFFF800  }
0x118: {  	v20 =	vld.idx.msk [tilespmem:v18+s10+$0x0], $0xffff;
	v18 =	vor.u32 v1, v19  }
0x119: {  	v19 =	vor.u32 v2, v17;
	_ =	sdelay $0x3  }
0x11a: {  	[tilespmem:v18+s12+$0x0] =	vst.idx.msk $0xffff, v20  }
0x11b: {  	v20 =	vor.u32 $0x1, v18;
	v19 =	vld.idx.msk [tilespmem:v19+s10+$0x0], $0xffff  }
0x11c: {  	v21 =	vor.u32 v3, v17;
	_ =	sdelay $0x3  }
0x11d: {  	[tilespmem:v20+s12+$0x0] =	vst.idx.msk $0xffff, v19  }
0x11e: {  	v20 =	vor.u32 $0x2, v18;
	v19 =	vld.idx.msk [tilespmem:v21+s10+$0x0], $0xffff  }
0x11f: {  	v52 =	vor.u32 v4, v17;
	_ =	sdelay $0x3  }
0x120: {  	[tilespmem:v20+s12+$0x0] =	vst.idx.msk $0xffff, v19  }
0x121: {  	v20 =	vor.u32 $0x3, v18;
	v19 =	vld.idx.msk [tilespmem:v52+s10+$0x0], $0xffff  }
0x122: {  	v53 =	vor.u32 v5, v17;
	_ =	sdelay $0x3  }
0x123: {  	[tilespmem:v20+s12+$0x0] =	vst.idx.msk $0xffff, v19  }
0x124: {  	v20 =	vor.u32 $0x4, v18;
	v19 =	vld.idx.msk [tilespmem:v53+s10+$0x0], $0xffff  }
0x125: {  	v54 =	vor.u32 v6, v17;
	_ =	sdelay $0x3  }
0x126: {  	[tilespmem:v20+s12+$0x0] =	vst.idx.msk $0xffff, v19  }
0x127: {  	v20 =	vor.u32 $0x5, v18;
	v19 =	vld.idx.msk [tilespmem:v54+s10+$0x0], $0xffff  }
0x128: {  	v55 =	vor.u32 v7, v17;
	_ =	sdelay $0x3  }
0x129: {  	[tilespmem:v20+s12+$0x0] =	vst.idx.msk $0xffff, v19  }
0x12a: {  	v20 =	vor.u32 $0x6, v18;
	v19 =	vld.idx.msk [tilespmem:v55+s10+$0x0], $0xffff  }
0x12b: {  	v56 =	vor.u32 v8, v17;
	_ =	sdelay $0x3  }
0x12c: {  	[tilespmem:v20+s12+$0x0] =	vst.idx.msk $0xffff, v19  }
0x12d: {  	v20 =	vor.u32 $0x7, v18;
	v19 =	vld.idx.msk [tilespmem:v56+s10+$0x0], $0xffff  }
0x12e: {  	v57 =	vor.u32 v9, v17;
	_ =	sdelay $0x3  }
0x12f: {  	[tilespmem:v20+s12+$0x0] =	vst.idx.msk $0xffff, v19  }
0x130: {  	v20 =	vor.u32 $0x8, v18;
	v19 =	vld.idx.msk [tilespmem:v57+s10+$0x0], $0xffff  }
0x131: {  	v58 =	vor.u32 v10, v17;
	_ =	sdelay $0x3  }
0x132: {  	[tilespmem:v20+s12+$0x0] =	vst.idx.msk $0xffff, v19  }
0x133: {  	v20 =	vor.u32 $0x9, v18;
	v19 =	vld.idx.msk [tilespmem:v58+s10+$0x0], $0xffff  }
0x134: {  	v59 =	vor.u32 v11, v17;
	_ =	sdelay $0x3  }
0x135: {  	[tilespmem:v20+s12+$0x0] =	vst.idx.msk $0xffff, v19  }
0x136: {  	v20 =	vor.u32 $0xA, v18;
	v19 =	vld.idx.msk [tilespmem:v59+s10+$0x0], $0xffff  }
0x137: {  	v60 =	vor.u32 v12, v17;
	_ =	sdelay $0x3  }
0x138: {  	[tilespmem:v20+s12+$0x0] =	vst.idx.msk $0xffff, v19  }
0x139: {  	v20 =	vor.u32 $0xB, v18;
	v19 =	vld.idx.msk [tilespmem:v60+s10+$0x0], $0xffff  }
0x13a: {  	v61 =	vor.u32 v13, v17;
	_ =	sdelay $0x3  }
0x13b: {  	[tilespmem:v20+s12+$0x0] =	vst.idx.msk $0xffff, v19  }
0x13c: {  	v20 =	vor.u32 $0xC, v18;
	v19 =	vld.idx.msk [tilespmem:v61+s10+$0x0], $0xffff  }
0x13d: {  	v62 =	vor.u32 v14, v17;
	_ =	sdelay $0x3  }
0x13e: {  	[tilespmem:v20+s12+$0x0] =	vst.idx.msk $0xffff, v19  }
0x13f: {  	v20 =	vor.u32 $0xD, v18;
	v19 =	vld.idx.msk [tilespmem:v62+s10+$0x0], $0xffff  }
0x140: {  	v63 =	vor.u32 v15, v17;
	_ =	sdelay $0x3  }
0x141: {  	[tilespmem:v20+s12+$0x0] =	vst.idx.msk $0xffff, v19  }
0x142: {  	v20 =	vor.u32 $0xE, v18;
	v19 =	vld.idx.msk [tilespmem:v63+s10+$0x0], $0xffff  }
0x143: {  	p0 =	sne.s32 s14, $0x1F0;
	v17 =	vor.u32 v16, v17  }
.Ltmp0:
0x144: {  	_ = 	snop;
	(pc) =	sbr.rel @p0 .LBB2_2-.Ltmp0, $3  }
0x145: {  	_ =	sdelay $0x1  }
0x146: {  	[tilespmem:v20+s12+$0x0] =	vst.idx.msk $0xffff, v19  }
0x147: {  	s14 =	sadd.s32 $0x10, s14;
	v18 =	vor.u32 $0xF, v18;
	v17 =	vld.idx.msk [tilespmem:v17+s10+$0x0], $0xffff  }
0x148: {  	_ =	sdelay $0x1  }
0x149: {  	s13 =	sadd.s32 $0x1, s13  }
0x14a: {  	p0 =	sne.s32 s13, s6  }
.Ltmp1:
0x14b: {  	[tilespmem:v18+s12+$0x0] =	vst.idx.msk $0xffff, v17;
	(pc) =	sbr.rel @p0 .LBB2_1-.Ltmp1, $4  }
0x14c: {  	[hbm4b:s5+s3] =	stream.linear.scatter [tilespmem:s12], [sflag:$0x2], $0x10000, $0x38;
	[tilespmem:$0x18200] =	vst v63  }
0x14d: {  	_ =	swait.ge [sflag:s7], $0x10000  }
0x14e: {  	[sflag:s7] =	ssyncset.done $0x0  }
0x14f: {  	[sflag:s7] =	ssyncadd.s32 $0xFFFF0000  }
0x150: {  	_ =	sfence.sel $0x180000  }
0x151: {  	[bflag:$0x0] =	sbarrier.arrive $0xFFFF  }
0x152: {  	_ =	strace $0x90000047  }
0x153: {  	s0 =	stileid.u32;
	[bflag:$0x2] =	sbarrier.arrive $0xFFFF  }
0x154: {  	p0 =	sne.s32 s0, $0x0;
	s0 =	rddreg [dreg:$0x3]  }
0x155: {  	s0 =	sadd.s32 @!p0 $0x100000, s0  }
0x156: {  	[sflag:s0] =	ssyncadd.tile.s32 @!p0 $0x1;
	_ =	shalt  }
.Lfunc_end2:
_tile_overlayer_lowered:
.L_overlay_start_2:
0x157: {  	(tag) =	ssettag $0x2  }
0x158: {  	s0 =	rddreg [dreg:$0x0];
	s2 =	stileid.u32  }
0x159: {  	s1 =	rddreg [dreg:$0x1];
	p0 =	sne.s32 s2, $0x0  }
0x15a: {  	s3 =	rddreg [dreg:$0x2];
	[bflag:$0x3] =	sbarrier.arrive $0xFFFF;
	s2 =	simm.s32 @!p0 $0x1C02  }
0x15b: {  	[timem:s3], [sflag:s2] =	dma.local @!p0 [hbm:s0], s1  }
0x15c: {  	s0 =	simm.s32 @!p0 $0x2  }
0x15d: {  	_ =	swait.ge @!p0 [sflag:s0], s1  }
0x15e: {  	s1 =	ssub.s32 @!p0 $0x0, s1;
	[sflag:s0] =	ssyncset.done @!p0 $0x0  }
0x15f: {  	[sflag:s0] =	ssyncadd.s32 @!p0 s1  }
0x160: {  	[bflag:$0x3] =	sbarrier.arrive $0xFFFF  }
0x161: {  	_ =	shalt  }

</sc_bundles>
